<compile_context>
chip_gen: v7x
topology: tpu7x:2x2x1
jax: 0.10.2.dev20260603
libtpu: 0.0.44.dev20260713+nightly
codegen_flags: <defaults>
</compile_context>

<pallas_src>
import functools

import jax
import jax.numpy as jnp
from jax import lax
from jax.experimental import pallas as pl
from jax.experimental.pallas import tpu as pltpu
from jax.experimental.pallas import tpu_sc as plsc

H = 64
EPS = 1e-12
CHUNK = 256
SUB = 128
NSUB = CHUNK // SUB
UNROLL = 4


def _rsqrt_nr(v):
    i = lax.bitcast_convert_type(v, jnp.int32)
    i = jnp.int32(0x5F3759DF) - (i >> 1)
    y = lax.bitcast_convert_type(i, jnp.float32)
    for _ in range(2):
        y = y * (1.5 - 0.5 * v * y * y)
    return y


@functools.cache
def _make_sc_kernel(n_rows):
    info = plsc.get_sparse_core_info()
    nw = info.num_cores * info.num_subcores
    per_w = n_rows // nw
    n_chunks = per_w // CHUNK
    assert per_w * nw == n_rows and n_chunks * CHUNK == per_w
    assert n_chunks % 2 == 0
    n_pairs = n_chunks // 2

    mesh = plsc.VectorSubcoreMesh(core_axis_name="c", subcore_axis_name="s")

    @functools.partial(
        pl.kernel,
        mesh=mesh,
        compiler_params=pltpu.CompilerParams(
            needs_layout_passes=False, use_tc_tiling_on_sc=False),
        out_type=jax.ShapeDtypeStruct((n_rows, H), jnp.float32),
        scratch_types=[
            pltpu.VMEM((CHUNK,), jnp.int32),
            pltpu.VMEM((CHUNK,), jnp.int32),
            pltpu.VMEM((CHUNK, H), jnp.float32),
            pltpu.VMEM((CHUNK, H), jnp.float32),
            pltpu.VMEM((CHUNK, H), jnp.float32),
            pltpu.VMEM((CHUNK, H), jnp.float32),
            pltpu.VMEM((H,), jnp.float32),
            pltpu.VMEM((H,), jnp.float32),
            pltpu.SemaphoreType.DMA,
            pltpu.SemaphoreType.DMA,
            pltpu.SemaphoreType.DMA,
            pltpu.SemaphoreType.DMA,
        ],
    )
    def k(ids_hbm, table_hbm, gamma_hbm, beta_hbm, out_hbm,
          idx0, idx1, rows0, rows1, ob0, ob1, gam_v, bet_v,
          gsem0, gsem1, osem0, osem1):
        wid = lax.axis_index("s") * info.num_cores + lax.axis_index("c")
        pltpu.sync_copy(gamma_hbm, gam_v)
        pltpu.sync_copy(beta_hbm, bet_v)
        w_base = wid * per_w
        gs = [gam_v[pl.ds(k16 * 16, 16)] for k16 in range(H // 16)]
        bs = [bet_v[pl.ds(k16 * 16, 16)] for k16 in range(H // 16)]

        def fire(c, idx_v, rows_v, gsem):
            pltpu.sync_copy(ids_hbm.at[pl.ds(w_base + c * CHUNK, CHUNK)],
                            idx_v)
            for j in range(NSUB):
                pltpu.make_async_copy(
                    table_hbm.at[idx_v.at[pl.ds(j * SUB, SUB)]],
                    rows_v.at[pl.ds(j * SUB, SUB)], gsem).start()

        def drain(idx_v, rows_v, gsem):
            for j in range(NSUB):
                pltpu.make_async_copy(
                    table_hbm.at[idx_v.at[pl.ds(j * SUB, SUB)]],
                    rows_v.at[pl.ds(j * SUB, SUB)], gsem).wait()

        def out_start(c, ob, osem):
            pltpu.make_async_copy(
                ob, out_hbm.at[pl.ds(w_base + c * CHUNK, CHUNK)],
                osem).start()

        def out_wait(c, ob, osem):
            pltpu.make_async_copy(
                ob, out_hbm.at[pl.ds(w_base + c * CHUNK, CHUNK)],
                osem).wait()

        def compute(rows_v, ob):
            def quad(i, _):
                r0 = i * UNROLL
                for u in range(UNROLL):
                    r = r0 + u
                    xs = [rows_v[r, pl.ds(k16 * 16, 16)]
                          for k16 in range(H // 16)]
                    s = jnp.sum(xs[0] + xs[1] + xs[2] + xs[3])
                    q = jnp.sum(xs[0] * xs[0] + xs[1] * xs[1]
                                + xs[2] * xs[2] + xs[3] * xs[3])
                    s_vec = jnp.full((16,), s, jnp.float32)
                    q_vec = jnp.full((16,), q, jnp.float32)
                    mean = s_vec * (1.0 / H)
                    var = q_vec * (1.0 / H) - mean * mean
                    a = _rsqrt_nr(var + EPS)
                    for k16 in range(H // 16):
                        y = (xs[k16] - mean) * a
                        ob[r, pl.ds(k16 * 16, 16)] = y * gs[k16] + bs[k16]
                return 0

            lax.fori_loop(0, CHUNK // UNROLL, quad, 0)

        fire(0, idx0, rows0, gsem0)

        def pair_body(t, _):
            ca = 2 * t
            cb = ca + 1
            fire(cb, idx1, rows1, gsem1)
            drain(idx0, rows0, gsem0)

            @pl.when(t > 0)
            def _():
                out_wait(ca - 2, ob0, osem0)

            compute(rows0, ob0)
            out_start(ca, ob0, osem0)

            @pl.when(t < n_pairs - 1)
            def _():
                fire(ca + 2, idx0, rows0, gsem0)

            drain(idx1, rows1, gsem1)

            @pl.when(t > 0)
            def _():
                out_wait(cb - 2, ob1, osem1)

            compute(rows1, ob1)
            out_start(cb, ob1, osem1)
            return 0

        lax.fori_loop(0, n_pairs, pair_body, 0)
        out_wait(n_chunks - 2, ob0, osem0)
        out_wait(n_chunks - 1, ob1, osem1)

    return k


def kernel(input_ids, item_table, ln_gamma, ln_beta):
    b, s = input_ids.shape
    n_rows = b * s
    ids = input_ids.reshape(n_rows).astype(jnp.int32)
    out = _make_sc_kernel(n_rows)(ids, item_table, ln_gamma, ln_beta)
    return out.reshape(b, s, H)

# --- scband reference (transcript-rebuilt; emitter-appended) ---
"""Pipeline reference for scband-items-embeddings-24764781429396 (READ-ONLY COPY).

The authoritative reference and input builder live on the scoring server;
editing this copy changes nothing except your own understanding.
"""

import jax, jax.numpy as jnp
import numpy as np

ITEM_SIZE = 1000000
HIDDEN = 64
BATCH = 4096
SEQ = 200
EPS = 1e-12


def setup_inputs(seed: int = 0) -> dict:
    key = jax.random.key(seed)
    k1, k2, k3 = jax.random.split(key, 3)
    input_ids = jax.random.randint(k1, (BATCH, SEQ), 0, ITEM_SIZE, dtype=jnp.int64 if jax.config.jax_enable_x64 else jnp.int32).astype(jnp.int32)
    item_table = jax.random.normal(k2, (ITEM_SIZE, HIDDEN), dtype=jnp.float32) * 0.02
    # padding_idx=0 -> row 0 initialized to zeros in torch
    item_table = item_table.at[0].set(0.0)
    ln_gamma = jnp.ones((HIDDEN,), dtype=jnp.float32)
    ln_beta = jnp.zeros((HIDDEN,), dtype=jnp.float32)
    return {"input_ids": input_ids, "item_table": item_table, "ln_gamma": ln_gamma, "ln_beta": ln_beta}


def reference(input_ids, item_table, ln_gamma, ln_beta):
    # items embedding lookup (use_position=False default path)
    emb = jnp.take(item_table, input_ids, axis=0)  # [B, S, H]
    # LayerNorm over last dim, eps=1e-12
    mean = jnp.mean(emb, axis=-1, keepdims=True)
    var = jnp.mean((emb - mean) ** 2, axis=-1, keepdims=True)
    normed = (emb - mean) / jnp.sqrt(var + EPS)
    out = normed * ln_gamma + ln_beta
    return out

if __name__ == "__main__":
    import jax
    _d = setup_inputs()
    print(jax.jit(kernel)(*tuple(_d.values())))

</pallas_src>

<mosaic_0001>
#map = affine_map<(d0, d1) -> (0)>
#map1 = affine_map<(d0, d1) -> (0, 0)>
module attributes {stable_mosaic.version = 14 : i64} {
  func.func @k(%arg0: i32, %arg1: i32, %arg2: memref<819200xi32, #tpu.memory_space<hbm>>, %arg3: memref<1000000x64xf32, #tpu.memory_space<hbm>>, %arg4: memref<64xf32, #tpu.memory_space<hbm>>, %arg5: memref<64xf32, #tpu.memory_space<hbm>>, %arg6: memref<819200x64xf32, #tpu.memory_space<hbm>>, %arg7: memref<256xi32, #tpu.memory_space<vmem>>, %arg8: memref<256xi32, #tpu.memory_space<vmem>>, %arg9: memref<256x64xf32, #tpu.memory_space<vmem>>, %arg10: memref<256x64xf32, #tpu.memory_space<vmem>>, %arg11: memref<256x64xf32, #tpu.memory_space<vmem>>, %arg12: memref<256x64xf32, #tpu.memory_space<vmem>>, %arg13: memref<64xf32, #tpu.memory_space<vmem>>, %arg14: memref<64xf32, #tpu.memory_space<vmem>>, %arg15: memref<!tpu.dma_semaphore, #tpu.memory_space<semaphore_mem>>, %arg16: memref<!tpu.dma_semaphore, #tpu.memory_space<semaphore_mem>>, %arg17: memref<!tpu.dma_semaphore, #tpu.memory_space<semaphore_mem>>, %arg18: memref<!tpu.dma_semaphore, #tpu.memory_space<semaphore_mem>>) attributes {dimension_semantics = [#tpu.dimension_semantics<core_parallel>, #tpu.dimension_semantics<subcore_parallel>], iteration_bounds = array<i64: 2, 16>, scalar_prefetch = 0 : i64, scratch_operands = 12 : i64, tpu.core_type = #tpu.core_type<sc_vector_subcore>, window_params = [{transform_indices = #map}, {transform_indices = #map1}, {transform_indices = #map}, {transform_indices = #map}, {transform_indices = #map1}]} {
    %mul3A = arith.constant 2 : i32
    %mul3A_0 = arith.muli %arg1, %mul3A : i32
    %add3A = arith.addi %mul3A_0, %arg0 : i32
    "tpu.region"() ({
      %run_scoped3A = tpu.sem_alloc : memref<!tpu.dma_semaphore, #tpu.memory_space<semaphore_mem>>
      tpu.enqueue_dma source(%arg4 : memref<64xf32, #tpu.memory_space<hbm>>) target(%arg13 : memref<64xf32, #tpu.memory_space<vmem>>) target_semaphore(%run_scoped3A : memref<!tpu.dma_semaphore, #tpu.memory_space<semaphore_mem>>)
      tpu.wait_dma2 semaphore(%run_scoped3A : memref<!tpu.dma_semaphore, #tpu.memory_space<semaphore_mem>>) src(%arg4 : memref<64xf32, #tpu.memory_space<hbm>>) dst(%arg13 : memref<64xf32, #tpu.memory_space<vmem>>)
      tpu.yield
    }) : () -> ()
    "tpu.region"() ({
      %run_scoped3A = tpu.sem_alloc : memref<!tpu.dma_semaphore, #tpu.memory_space<semaphore_mem>>
      tpu.enqueue_dma source(%arg5 : memref<64xf32, #tpu.memory_space<hbm>>) target(%arg14 : memref<64xf32, #tpu.memory_space<vmem>>) target_semaphore(%run_scoped3A : memref<!tpu.dma_semaphore, #tpu.memory_space<semaphore_mem>>)
      tpu.wait_dma2 semaphore(%run_scoped3A : memref<!tpu.dma_semaphore, #tpu.memory_space<semaphore_mem>>) src(%arg5 : memref<64xf32, #tpu.memory_space<hbm>>) dst(%arg14 : memref<64xf32, #tpu.memory_space<vmem>>)
      tpu.yield
    }) : () -> ()
    %mul3A_1 = arith.constant 25600 : i32
    %mul3A_2 = arith.muli %add3A, %mul3A_1 : i32
    %get3A = arith.constant 0 : index
    %get3A_3 = tpu.vector_load %arg13[%get3A] {strides = array<i32>} : memref<64xf32, #tpu.memory_space<vmem>>, vector<16xf32>,
    %get3A_4 = arith.constant 16 : index
    %get3A_5 = tpu.vector_load %arg13[%get3A_4] {strides = array<i32>} : memref<64xf32, #tpu.memory_space<vmem>>, vector<16xf32>,
    %get3A_6 = arith.constant 32 : index
    %get3A_7 = tpu.vector_load %arg13[%get3A_6] {strides = array<i32>} : memref<64xf32, #tpu.memory_space<vmem>>, vector<16xf32>,
    %get3A_8 = arith.constant 48 : index
    %get3A_9 = tpu.vector_load %arg13[%get3A_8] {strides = array<i32>} : memref<64xf32, #tpu.memory_space<vmem>>, vector<16xf32>,
    %get3A_10 = arith.constant 0 : index
    %get3A_11 = tpu.vector_load %arg14[%get3A_10] {strides = array<i32>} : memref<64xf32, #tpu.memory_space<vmem>>, vector<16xf32>,
    %get3A_12 = arith.constant 16 : index
    %get3A_13 = tpu.vector_load %arg14[%get3A_12] {strides = array<i32>} : memref<64xf32, #tpu.memory_space<vmem>>, vector<16xf32>,
    %get3A_14 = arith.constant 32 : index
    %get3A_15 = tpu.vector_load %arg14[%get3A_14] {strides = array<i32>} : memref<64xf32, #tpu.memory_space<vmem>>, vector<16xf32>,
    %get3A_16 = arith.constant 48 : index
    %get3A_17 = tpu.vector_load %arg14[%get3A_16] {strides = array<i32>} : memref<64xf32, #tpu.memory_space<vmem>>, vector<16xf32>,
    %add3A_18 = arith.constant 0 : i32
    %add3A_19 = arith.addi %mul3A_2, %add3A_18 : i32
    "tpu.region"() ({
      %run_scoped3A = tpu.sem_alloc : memref<!tpu.dma_semaphore, #tpu.memory_space<semaphore_mem>>
      %dma_start3A_52 = tpu.memref_slice %arg2[%add3A_19] : memref<819200xi32, #tpu.memory_space<hbm>> -> memref<256xi32, #tpu.memory_space<hbm>>
      %dma_start3A_53 = tpu.memref_slice %arg2[%add3A_19] : memref<819200xi32, #tpu.memory_space<hbm>> -> memref<256xi32, #tpu.memory_space<hbm>>
      tpu.enqueue_dma source(%dma_start3A_53 : memref<256xi32, #tpu.memory_space<hbm>>) target(%arg7 : memref<256xi32, #tpu.memory_space<vmem>>) target_semaphore(%run_scoped3A : memref<!tpu.dma_semaphore, #tpu.memory_space<semaphore_mem>>)
      %dma_wait3A_54 = tpu.memref_slice %arg2[%add3A_19] : memref<819200xi32, #tpu.memory_space<hbm>> -> memref<256xi32, #tpu.memory_space<hbm>>
      %dma_wait3A_55 = tpu.memref_slice %arg2[%add3A_19] : memref<819200xi32, #tpu.memory_space<hbm>> -> memref<256xi32, #tpu.memory_space<hbm>>
      tpu.wait_dma2 semaphore(%run_scoped3A : memref<!tpu.dma_semaphore, #tpu.memory_space<semaphore_mem>>) src(%dma_wait3A_55 : memref<256xi32, #tpu.memory_space<hbm>>) dst(%arg7 : memref<256xi32, #tpu.memory_space<vmem>>)
      tpu.yield
    }) : () -> ()
    %dma_start3A = arith.constant 0 : i32
    %dma_start3A_20 = arith.constant 0 : i32
    %dma_start3A_21 = tpu.memref_slice %arg9[%dma_start3A, %dma_start3A_20] : memref<256x64xf32, #tpu.memory_space<vmem>> -> memref<128x64xf32, #tpu.memory_space<vmem>>
    %dma_start3A_22 = arith.constant 0 : i32
    %dma_start3A_23 = tpu.memref_slice %arg7[%dma_start3A_22] : memref<256xi32, #tpu.memory_space<vmem>> -> memref<128xi32, #tpu.memory_space<vmem>>
    %dma_start3A_24 = arith.constant 0 : i32
    %dma_start3A_25 = arith.constant 0 : i32
    %dma_start3A_26 = tpu.memref_slice %arg3[%dma_start3A_24, %dma_start3A_25] : memref<1000000x64xf32, #tpu.memory_space<hbm>> -> memref<1000000x64xf32, #tpu.memory_space<hbm>>
    tpu.enqueue_indirect_dma source(%dma_start3A_26 : memref<1000000x64xf32, #tpu.memory_space<hbm>>) target(%dma_start3A_21 : memref<128x64xf32, #tpu.memory_space<vmem>>) offsets(%dma_start3A_23 : memref<128xi32, #tpu.memory_space<vmem>>) semaphore(%arg15 : memref<!tpu.dma_semaphore, #tpu.memory_space<semaphore_mem>>)
    %dma_start3A_27 = arith.constant 128 : i32
    %dma_start3A_28 = arith.constant 0 : i32
    %dma_start3A_29 = tpu.memref_slice %arg9[%dma_start3A_27, %dma_start3A_28] : memref<256x64xf32, #tpu.memory_space<vmem>> -> memref<128x64xf32, #tpu.memory_space<vmem>>
    %dma_start3A_30 = arith.constant 128 : i32
    %dma_start3A_31 = tpu.memref_slice %arg7[%dma_start3A_30] : memref<256xi32, #tpu.memory_space<vmem>> -> memref<128xi32, #tpu.memory_space<vmem>>
    %dma_start3A_32 = arith.constant 0 : i32
    %dma_start3A_33 = arith.constant 0 : i32
    %dma_start3A_34 = tpu.memref_slice %arg3[%dma_start3A_32, %dma_start3A_33] : memref<1000000x64xf32, #tpu.memory_space<hbm>> -> memref<1000000x64xf32, #tpu.memory_space<hbm>>
    tpu.enqueue_indirect_dma source(%dma_start3A_34 : memref<1000000x64xf32, #tpu.memory_space<hbm>>) target(%dma_start3A_29 : memref<128x64xf32, #tpu.memory_space<vmem>>) offsets(%dma_start3A_31 : memref<128xi32, #tpu.memory_space<vmem>>) semaphore(%arg15 : memref<!tpu.dma_semaphore, #tpu.memory_space<semaphore_mem>>)
    %scan3A = arith.constant 0 : i32
    %scan3A_35 = arith.constant 0 : i32
    %scan3A_36 = arith.constant 50 : i32
    %scan3A_37 = arith.addi %scan3A_35, %scan3A_36 : i32
    %scan3A_38 = arith.constant 1 : i32
    %scan3A_39 = scf.for %scan3A_52 = %scan3A_35 to %scan3A_37 step %scan3A_38 iter_args(%scan3A_53 = %scan3A) -> (i32)  : i32 {
      %mul3A_54 = arith.constant 2 : i32
      %mul3A_55 = arith.muli %mul3A_54, %scan3A_52 : i32
      %add3A_56 = arith.constant 1 : i32
      %add3A_57 = arith.addi %mul3A_55, %add3A_56 : i32
      %mul3A_58 = arith.constant 256 : i32
      %mul3A_59 = arith.muli %add3A_57, %mul3A_58 : i32
      %add3A_60 = arith.addi %mul3A_2, %mul3A_59 : i32
      "tpu.region"() ({
        %run_scoped3A = tpu.sem_alloc : memref<!tpu.dma_semaphore, #tpu.memory_space<semaphore_mem>>
        %dma_start3A_149 = tpu.memref_slice %arg2[%add3A_60] : memref<819200xi32, #tpu.memory_space<hbm>> -> memref<256xi32, #tpu.memory_space<hbm>>
        %dma_start3A_150 = tpu.memref_slice %arg2[%add3A_60] : memref<819200xi32, #tpu.memory_space<hbm>> -> memref<256xi32, #tpu.memory_space<hbm>>
        tpu.enqueue_dma source(%dma_start3A_150 : memref<256xi32, #tpu.memory_space<hbm>>) target(%arg8 : memref<256xi32, #tpu.memory_space<vmem>>) target_semaphore(%run_scoped3A : memref<!tpu.dma_semaphore, #tpu.memory_space<semaphore_mem>>)
        %dma_wait3A_151 = tpu.memref_slice %arg2[%add3A_60] : memref<819200xi32, #tpu.memory_space<hbm>> -> memref<256xi32, #tpu.memory_space<hbm>>
        %dma_wait3A_152 = tpu.memref_slice %arg2[%add3A_60] : memref<819200xi32, #tpu.memory_space<hbm>> -> memref<256xi32, #tpu.memory_space<hbm>>
        tpu.wait_dma2 semaphore(%run_scoped3A : memref<!tpu.dma_semaphore, #tpu.memory_space<semaphore_mem>>) src(%dma_wait3A_152 : memref<256xi32, #tpu.memory_space<hbm>>) dst(%arg8 : memref<256xi32, #tpu.memory_space<vmem>>)
        tpu.yield
      }) : () -> ()
      %dma_start3A_61 = arith.constant 0 : i32
      %dma_start3A_62 = arith.constant 0 : i32
      %dma_start3A_63 = tpu.memref_slice %arg10[%dma_start3A_61, %dma_start3A_62] : memref<256x64xf32, #tpu.memory_space<vmem>> -> memref<128x64xf32, #tpu.memory_space<vmem>>
      %dma_start3A_64 = arith.constant 0 : i32
      %dma_start3A_65 = tpu.memref_slice %arg8[%dma_start3A_64] : memref<256xi32, #tpu.memory_space<vmem>> -> memref<128xi32, #tpu.memory_space<vmem>>
      %dma_start3A_66 = arith.constant 0 : i32
      %dma_start3A_67 = arith.constant 0 : i32
      %dma_start3A_68 = tpu.memref_slice %arg3[%dma_start3A_66, %dma_start3A_67] : memref<1000000x64xf32, #tpu.memory_space<hbm>> -> memref<1000000x64xf32, #tpu.memory_space<hbm>>
      tpu.enqueue_indirect_dma source(%dma_start3A_68 : memref<1000000x64xf32, #tpu.memory_space<hbm>>) target(%dma_start3A_63 : memref<128x64xf32, #tpu.memory_space<vmem>>) offsets(%dma_start3A_65 : memref<128xi32, #tpu.memory_space<vmem>>) semaphore(%arg16 : memref<!tpu.dma_semaphore, #tpu.memory_space<semaphore_mem>>)
      %dma_start3A_69 = arith.constant 128 : i32
      %dma_start3A_70 = arith.constant 0 : i32
      %dma_start3A_71 = tpu.memref_slice %arg10[%dma_start3A_69, %dma_start3A_70] : memref<256x64xf32, #tpu.memory_space<vmem>> -> memref<128x64xf32, #tpu.memory_space<vmem>>
      %dma_start3A_72 = arith.constant 128 : i32
      %dma_start3A_73 = tpu.memref_slice %arg8[%dma_start3A_72] : memref<256xi32, #tpu.memory_space<vmem>> -> memref<128xi32, #tpu.memory_space<vmem>>
      %dma_start3A_74 = arith.constant 0 : i32
      %dma_start3A_75 = arith.constant 0 : i32
      %dma_start3A_76 = tpu.memref_slice %arg3[%dma_start3A_74, %dma_start3A_75] : memref<1000000x64xf32, #tpu.memory_space<hbm>> -> memref<1000000x64xf32, #tpu.memory_space<hbm>>
      tpu.enqueue_indirect_dma source(%dma_start3A_76 : memref<1000000x64xf32, #tpu.memory_space<hbm>>) target(%dma_start3A_71 : memref<128x64xf32, #tpu.memory_space<vmem>>) offsets(%dma_start3A_73 : memref<128xi32, #tpu.memory_space<vmem>>) semaphore(%arg16 : memref<!tpu.dma_semaphore, #tpu.memory_space<semaphore_mem>>)
      %dma_wait3A_77 = arith.constant 0 : i32
      %dma_wait3A_78 = arith.constant 0 : i32
      %dma_wait3A_79 = tpu.memref_slice %arg9[%dma_wait3A_77, %dma_wait3A_78] : memref<256x64xf32, #tpu.memory_space<vmem>> -> memref<128x64xf32, #tpu.memory_space<vmem>>
      %dma_wait3A_80 = arith.constant 0 : i32
      %dma_wait3A_81 = tpu.memref_slice %arg7[%dma_wait3A_80] : memref<256xi32, #tpu.memory_space<vmem>> -> memref<128xi32, #tpu.memory_space<vmem>>
      %dma_wait3A_82 = arith.constant 0 : i32
      %dma_wait3A_83 = arith.constant 0 : i32
      %dma_wait3A_84 = tpu.memref_slice %arg3[%dma_wait3A_82, %dma_wait3A_83] : memref<1000000x64xf32, #tpu.memory_space<hbm>> -> memref<1000000x64xf32, #tpu.memory_space<hbm>>
      tpu.wait_indirect_dma semaphore(%arg15 : memref<!tpu.dma_semaphore, #tpu.memory_space<semaphore_mem>>) src(%dma_wait3A_84 : memref<1000000x64xf32, #tpu.memory_space<hbm>>) dst(%dma_wait3A_79 : memref<128x64xf32, #tpu.memory_space<vmem>>)
      %dma_wait3A_85 = arith.constant 128 : i32
      %dma_wait3A_86 = arith.constant 0 : i32
      %dma_wait3A_87 = tpu.memref_slice %arg9[%dma_wait3A_85, %dma_wait3A_86] : memref<256x64xf32, #tpu.memory_space<vmem>> -> memref<128x64xf32, #tpu.memory_space<vmem>>
      %dma_wait3A_88 = arith.constant 128 : i32
      %dma_wait3A_89 = tpu.memref_slice %arg7[%dma_wait3A_88] : memref<256xi32, #tpu.memory_space<vmem>> -> memref<128xi32, #tpu.memory_space<vmem>>
      %dma_wait3A_90 = arith.constant 0 : i32
      %dma_wait3A_91 = arith.constant 0 : i32
      %dma_wait3A_92 = tpu.memref_slice %arg3[%dma_wait3A_90, %dma_wait3A_91] : memref<1000000x64xf32, #tpu.memory_space<hbm>> -> memref<1000000x64xf32, #tpu.memory_space<hbm>>
      tpu.wait_indirect_dma semaphore(%arg15 : memref<!tpu.dma_semaphore, #tpu.memory_space<semaphore_mem>>) src(%dma_wait3A_92 : memref<1000000x64xf32, #tpu.memory_space<hbm>>) dst(%dma_wait3A_87 : memref<128x64xf32, #tpu.memory_space<vmem>>)
      %gt3A = arith.constant 0 : i32
      %gt3A_93 = arith.cmpi sgt, %scan3A_52, %gt3A : i32
      %convert_element_type3A = arith.extui %gt3A_93 : i1 to i32
      %cond3A = arith.constant 0 : i32
      %cond3A_94 = arith.cmpi ne, %convert_element_type3A, %cond3A : i32
      scf.if %cond3A_94 {
        %sub3A = arith.constant 2 : i32
        %sub3A_149 = arith.subi %mul3A_55, %sub3A : i32
        %mul3A_150 = arith.constant 256 : i32
        %mul3A_151 = arith.muli %sub3A_149, %mul3A_150 : i32
        %add3A_152 = arith.addi %mul3A_2, %mul3A_151 : i32
        %dma_wait3A_153 = arith.constant 0 : i32
        %dma_wait3A_154 = tpu.memref_slice %arg6[%add3A_152, %dma_wait3A_153] : memref<819200x64xf32, #tpu.memory_space<hbm>> -> memref<256x64xf32, #tpu.memory_space<hbm>>
        %dma_wait3A_155 = arith.constant 0 : i32
        %dma_wait3A_156 = tpu.memref_slice %arg6[%add3A_152, %dma_wait3A_155] : memref<819200x64xf32, #tpu.memory_space<hbm>> -> memref<256x64xf32, #tpu.memory_space<hbm>>
        tpu.wait_dma2 semaphore(%arg17 : memref<!tpu.dma_semaphore, #tpu.memory_space<semaphore_mem>>) src(%arg11 : memref<256x64xf32, #tpu.memory_space<vmem>>) dst(%dma_wait3A_156 : memref<256x64xf32, #tpu.memory_space<hbm>>)
      } else {
      }
      %scan3A_95 = arith.constant 0 : i32
      %scan3A_96 = arith.constant 0 : i32
      %scan3A_97 = arith.constant 64 : i32
      %scan3A_98 = arith.addi %scan3A_96, %scan3A_97 : i32
      %scan3A_99 = arith.constant 1 : i32
      %scan3A_100 = scf.for %scan3A_149 = %scan3A_96 to %scan3A_98 step %scan3A_99 iter_args(%scan3A_150 = %scan3A_95) -> (i32)  : i32 {
        %mul3A_151 = arith.constant 4 : i32
        %mul3A_152 = arith.muli %scan3A_149, %mul3A_151 : i32
        %add3A_153 = arith.constant 0 : i32
        %add3A_154 = arith.addi %mul3A_152, %add3A_153 : i32
        %get3A_155 = arith.index_cast %add3A_154 : i32 to index
        %get3A_156 = arith.constant 0 : index
        %get3A_157 = tpu.vector_load %arg9[%get3A_155, %get3A_156] {strides = array<i32>} : memref<256x64xf32, #tpu.memory_space<vmem>>, vector<16xf32>,
        %get3A_158 = arith.index_cast %add3A_154 : i32 to index
        %get3A_159 = arith.constant 16 : index
        %get3A_160 = tpu.vector_load %arg9[%get3A_158, %get3A_159] {strides = array<i32>} : memref<256x64xf32, #tpu.memory_space<vmem>>, vector<16xf32>,
        %get3A_161 = arith.index_cast %add3A_154 : i32 to index
        %get3A_162 = arith.constant 32 : index
        %get3A_163 = tpu.vector_load %arg9[%get3A_161, %get3A_162] {strides = array<i32>} : memref<256x64xf32, #tpu.memory_space<vmem>>, vector<16xf32>,
        %get3A_164 = arith.index_cast %add3A_154 : i32 to index
        %get3A_165 = arith.constant 48 : index
        %get3A_166 = tpu.vector_load %arg9[%get3A_164, %get3A_165] {strides = array<i32>} : memref<256x64xf32, #tpu.memory_space<vmem>>, vector<16xf32>,
        %add3A_167 = arith.addf %get3A_157, %get3A_160 : vector<16xf32>
        %add3A_168 = arith.addf %add3A_167, %get3A_163 : vector<16xf32>
        %add3A_169 = arith.addf %add3A_168, %get3A_166 : vector<16xf32>
        %reduce_sum3A = arith.constant true
        %reduce_sum3A_170 = vector.broadcast %reduce_sum3A : i1 to vector<16xi1>
        %reduce_sum3A_171 = tpu.scan <sum>, %add3A_169 masked %reduce_sum3A_170 : vector<16xf32>, vector<16xi1> -> vector<16xf32>
        %reduce_sum3A_172 = vector.extract %reduce_sum3A_171[15] : f32 from vector<16xf32>
        %mul3A_173 = arith.mulf %get3A_157, %get3A_157 : vector<16xf32>
        %mul3A_174 = arith.mulf %get3A_160, %get3A_160 : vector<16xf32>
        %add3A_175 = arith.addf %mul3A_173, %mul3A_174 : vector<16xf32>
        %mul3A_176 = arith.mulf %get3A_163, %get3A_163 : vector<16xf32>
        %add3A_177 = arith.addf %add3A_175, %mul3A_176 : vector<16xf32>
        %mul3A_178 = arith.mulf %get3A_166, %get3A_166 : vector<16xf32>
        %add3A_179 = arith.addf %add3A_177, %mul3A_178 : vector<16xf32>
        %reduce_sum3A_180 = arith.constant true
        %reduce_sum3A_181 = vector.broadcast %reduce_sum3A_180 : i1 to vector<16xi1>
        %reduce_sum3A_182 = tpu.scan <sum>, %add3A_179 masked %reduce_sum3A_181 : vector<16xf32>, vector<16xi1> -> vector<16xf32>
        %reduce_sum3A_183 = vector.extract %reduce_sum3A_182[15] : f32 from vector<16xf32>
        %broadcast_in_dim3A = vector.broadcast %reduce_sum3A_172 : f32 to vector<16xf32>
        %broadcast_in_dim3A_184 = vector.broadcast %reduce_sum3A_183 : f32 to vector<16xf32>
        %mul3A_185 = arith.constant 1.562500e-02 : f32
        %mul3A_186 = vector.broadcast %mul3A_185 : f32 to vector<16xf32>
        %mul3A_187 = arith.mulf %broadcast_in_dim3A, %mul3A_186 : vector<16xf32>
        %mul3A_188 = arith.constant 1.562500e-02 : f32
        %mul3A_189 = vector.broadcast %mul3A_188 : f32 to vector<16xf32>
        %mul3A_190 = arith.mulf %broadcast_in_dim3A_184, %mul3A_189 : vector<16xf32>
        %mul3A_191 = arith.mulf %mul3A_187, %mul3A_187 : vector<16xf32>
        %sub3A = arith.subf %mul3A_190, %mul3A_191 : vector<16xf32>
        %add3A_192 = arith.constant 9.99999996E-13 : f32
        %add3A_193 = vector.broadcast %add3A_192 : f32 to vector<16xf32>
        %add3A_194 = arith.addf %sub3A, %add3A_193 : vector<16xf32>
        %bitcast_convert_type3A = tpu.bitcast %add3A_194 : vector<16xf32> -> vector<16xi32>
        %shift_right_arithmetic3A = arith.constant 1 : i32
        %shift_right_arithmetic3A_195 = vector.broadcast %shift_right_arithmetic3A : i32 to vector<16xi32>
        %shift_right_arithmetic3A_196 = arith.shrsi %bitcast_convert_type3A, %shift_right_arithmetic3A_195 : vector<16xi32>
        %sub3A_197 = arith.constant 1597463007 : i32
        %sub3A_198 = vector.broadcast %sub3A_197 : i32 to vector<16xi32>
        %sub3A_199 = arith.subi %sub3A_198, %shift_right_arithmetic3A_196 : vector<16xi32>
        %bitcast_convert_type3A_200 = tpu.bitcast %sub3A_199 : vector<16xi32> -> vector<16xf32>
        %mul3A_201 = arith.constant 5.000000e-01 : f32
        %mul3A_202 = vector.broadcast %mul3A_201 : f32 to vector<16xf32>
        %mul3A_203 = arith.mulf %mul3A_202, %add3A_194 : vector<16xf32>
        %mul3A_204 = arith.mulf %mul3A_203, %bitcast_convert_type3A_200 : vector<16xf32>
        %mul3A_205 = arith.mulf %mul3A_204, %bitcast_convert_type3A_200 : vector<16xf32>
        %sub3A_206 = arith.constant 1.500000e+00 : f32
        %sub3A_207 = vector.broadcast %sub3A_206 : f32 to vector<16xf32>
        %sub3A_208 = arith.subf %sub3A_207, %mul3A_205 : vector<16xf32>
        %mul3A_209 = arith.mulf %bitcast_convert_type3A_200, %sub3A_208 : vector<16xf32>
        %mul3A_210 = arith.constant 5.000000e-01 : f32
        %mul3A_211 = vector.broadcast %mul3A_210 : f32 to vector<16xf32>
        %mul3A_212 = arith.mulf %mul3A_211, %add3A_194 : vector<16xf32>
        %mul3A_213 = arith.mulf %mul3A_212, %mul3A_209 : vector<16xf32>
        %mul3A_214 = arith.mulf %mul3A_213, %mul3A_209 : vector<16xf32>
        %sub3A_215 = arith.constant 1.500000e+00 : f32
        %sub3A_216 = vector.broadcast %sub3A_215 : f32 to vector<16xf32>
        %sub3A_217 = arith.subf %sub3A_216, %mul3A_214 : vector<16xf32>
        %mul3A_218 = arith.mulf %mul3A_209, %sub3A_217 : vector<16xf32>
        %sub3A_219 = arith.subf %get3A_157, %mul3A_187 : vector<16xf32>
        %mul3A_220 = arith.mulf %sub3A_219, %mul3A_218 : vector<16xf32>
        %mul3A_221 = arith.mulf %mul3A_220, %get3A_3 : vector<16xf32>
        %add3A_222 = arith.addf %mul3A_221, %get3A_11 : vector<16xf32>
        %swap3A = arith.index_cast %add3A_154 : i32 to index
        %swap3A_223 = arith.constant 0 : index
        %swap3A_224 = tpu.vector_load %arg11[%swap3A, %swap3A_223] {strides = array<i32>} : memref<256x64xf32, #tpu.memory_space<vmem>>, vector<16xf32>,
        tpu.vector_store %arg11[%swap3A, %swap3A_223], %add3A_222 {strides = array<i32>} : memref<256x64xf32, #tpu.memory_space<vmem>>, vector<16xf32>,
        %sub3A_225 = arith.subf %get3A_160, %mul3A_187 : vector<16xf32>
        %mul3A_226 = arith.mulf %sub3A_225, %mul3A_218 : vector<16xf32>
        %mul3A_227 = arith.mulf %mul3A_226, %get3A_5 : vector<16xf32>
        %add3A_228 = arith.addf %mul3A_227, %get3A_13 : vector<16xf32>
        %swap3A_229 = arith.index_cast %add3A_154 : i32 to index
        %swap3A_230 = arith.constant 16 : index
        %swap3A_231 = tpu.vector_load %arg11[%swap3A_229, %swap3A_230] {strides = array<i32>} : memref<256x64xf32, #tpu.memory_space<vmem>>, vector<16xf32>,
        tpu.vector_store %arg11[%swap3A_229, %swap3A_230], %add3A_228 {strides = array<i32>} : memref<256x64xf32, #tpu.memory_space<vmem>>, vector<16xf32>,
        %sub3A_232 = arith.subf %get3A_163, %mul3A_187 : vector<16xf32>
        %mul3A_233 = arith.mulf %sub3A_232, %mul3A_218 : vector<16xf32>
        %mul3A_234 = arith.mulf %mul3A_233, %get3A_7 : vector<16xf32>
        %add3A_235 = arith.addf %mul3A_234, %get3A_15 : vector<16xf32>
        %swap3A_236 = arith.index_cast %add3A_154 : i32 to index
        %swap3A_237 = arith.constant 32 : index
        %swap3A_238 = tpu.vector_load %arg11[%swap3A_236, %swap3A_237] {strides = array<i32>} : memref<256x64xf32, #tpu.memory_space<vmem>>, vector<16xf32>,
        tpu.vector_store %arg11[%swap3A_236, %swap3A_237], %add3A_235 {strides = array<i32>} : memref<256x64xf32, #tpu.memory_space<vmem>>, vector<16xf32>,
        %sub3A_239 = arith.subf %get3A_166, %mul3A_187 : vector<16xf32>
        %mul3A_240 = arith.mulf %sub3A_239, %mul3A_218 : vector<16xf32>
        %mul3A_241 = arith.mulf %mul3A_240, %get3A_9 : vector<16xf32>
        %add3A_242 = arith.addf %mul3A_241, %get3A_17 : vector<16xf32>
        %swap3A_243 = arith.index_cast %add3A_154 : i32 to index
        %swap3A_244 = arith.constant 48 : index
        %swap3A_245 = tpu.vector_load %arg11[%swap3A_243, %swap3A_244] {strides = array<i32>} : memref<256x64xf32, #tpu.memory_space<vmem>>, vector<16xf32>,
        tpu.vector_store %arg11[%swap3A_243, %swap3A_244], %add3A_242 {strides = array<i32>} : memref<256x64xf32, #tpu.memory_space<vmem>>, vector<16xf32>,
        %add3A_246 = arith.constant 1 : i32
        %add3A_247 = arith.addi %mul3A_152, %add3A_246 : i32
        %get3A_248 = arith.index_cast %add3A_247 : i32 to index
        %get3A_249 = arith.constant 0 : index
        %get3A_250 = tpu.vector_load %arg9[%get3A_248, %get3A_249] {strides = array<i32>} : memref<256x64xf32, #tpu.memory_space<vmem>>, vector<16xf32>,
        %get3A_251 = arith.index_cast %add3A_247 : i32 to index
        %get3A_252 = arith.constant 16 : index
        %get3A_253 = tpu.vector_load %arg9[%get3A_251, %get3A_252] {strides = array<i32>} : memref<256x64xf32, #tpu.memory_space<vmem>>, vector<16xf32>,
        %get3A_254 = arith.index_cast %add3A_247 : i32 to index
        %get3A_255 = arith.constant 32 : index
        %get3A_256 = tpu.vector_load %arg9[%get3A_254, %get3A_255] {strides = array<i32>} : memref<256x64xf32, #tpu.memory_space<vmem>>, vector<16xf32>,
        %get3A_257 = arith.index_cast %add3A_247 : i32 to index
        %get3A_258 = arith.constant 48 : index
        %get3A_259 = tpu.vector_load %arg9[%get3A_257, %get3A_258] {strides = array<i32>} : memref<256x64xf32, #tpu.memory_space<vmem>>, vector<16xf32>,
        %add3A_260 = arith.addf %get3A_250, %get3A_253 : vector<16xf32>
        %add3A_261 = arith.addf %add3A_260, %get3A_256 : vector<16xf32>
        %add3A_262 = arith.addf %add3A_261, %get3A_259 : vector<16xf32>
        %reduce_sum3A_263 = arith.constant true
        %reduce_sum3A_264 = vector.broadcast %reduce_sum3A_263 : i1 to vector<16xi1>
        %reduce_sum3A_265 = tpu.scan <sum>, %add3A_262 masked %reduce_sum3A_264 : vector<16xf32>, vector<16xi1> -> vector<16xf32>
        %reduce_sum3A_266 = vector.extract %reduce_sum3A_265[15] : f32 from vector<16xf32>
        %mul3A_267 = arith.mulf %get3A_250, %get3A_250 : vector<16xf32>
        %mul3A_268 = arith.mulf %get3A_253, %get3A_253 : vector<16xf32>
        %add3A_269 = arith.addf %mul3A_267, %mul3A_268 : vector<16xf32>
        %mul3A_270 = arith.mulf %get3A_256, %get3A_256 : vector<16xf32>
        %add3A_271 = arith.addf %add3A_269, %mul3A_270 : vector<16xf32>
        %mul3A_272 = arith.mulf %get3A_259, %get3A_259 : vector<16xf32>
        %add3A_273 = arith.addf %add3A_271, %mul3A_272 : vector<16xf32>
        %reduce_sum3A_274 = arith.constant true
        %reduce_sum3A_275 = vector.broadcast %reduce_sum3A_274 : i1 to vector<16xi1>
        %reduce_sum3A_276 = tpu.scan <sum>, %add3A_273 masked %reduce_sum3A_275 : vector<16xf32>, vector<16xi1> -> vector<16xf32>
        %reduce_sum3A_277 = vector.extract %reduce_sum3A_276[15] : f32 from vector<16xf32>
        %broadcast_in_dim3A_278 = vector.broadcast %reduce_sum3A_266 : f32 to vector<16xf32>
        %broadcast_in_dim3A_279 = vector.broadcast %reduce_sum3A_277 : f32 to vector<16xf32>
        %mul3A_280 = arith.constant 1.562500e-02 : f32
        %mul3A_281 = vector.broadcast %mul3A_280 : f32 to vector<16xf32>
        %mul3A_282 = arith.mulf %broadcast_in_dim3A_278, %mul3A_281 : vector<16xf32>
        %mul3A_283 = arith.constant 1.562500e-02 : f32
        %mul3A_284 = vector.broadcast %mul3A_283 : f32 to vector<16xf32>
        %mul3A_285 = arith.mulf %broadcast_in_dim3A_279, %mul3A_284 : vector<16xf32>
        %mul3A_286 = arith.mulf %mul3A_282, %mul3A_282 : vector<16xf32>
        %sub3A_287 = arith.subf %mul3A_285, %mul3A_286 : vector<16xf32>
        %add3A_288 = arith.constant 9.99999996E-13 : f32
        %add3A_289 = vector.broadcast %add3A_288 : f32 to vector<16xf32>
        %add3A_290 = arith.addf %sub3A_287, %add3A_289 : vector<16xf32>
        %bitcast_convert_type3A_291 = tpu.bitcast %add3A_290 : vector<16xf32> -> vector<16xi32>
        %shift_right_arithmetic3A_292 = arith.constant 1 : i32
        %shift_right_arithmetic3A_293 = vector.broadcast %shift_right_arithmetic3A_292 : i32 to vector<16xi32>
        %shift_right_arithmetic3A_294 = arith.shrsi %bitcast_convert_type3A_291, %shift_right_arithmetic3A_293 : vector<16xi32>
        %sub3A_295 = arith.constant 1597463007 : i32
        %sub3A_296 = vector.broadcast %sub3A_295 : i32 to vector<16xi32>
        %sub3A_297 = arith.subi %sub3A_296, %shift_right_arithmetic3A_294 : vector<16xi32>
        %bitcast_convert_type3A_298 = tpu.bitcast %sub3A_297 : vector<16xi32> -> vector<16xf32>
        %mul3A_299 = arith.constant 5.000000e-01 : f32
        %mul3A_300 = vector.broadcast %mul3A_299 : f32 to vector<16xf32>
        %mul3A_301 = arith.mulf %mul3A_300, %add3A_290 : vector<16xf32>
        %mul3A_302 = arith.mulf %mul3A_301, %bitcast_convert_type3A_298 : vector<16xf32>
        %mul3A_303 = arith.mulf %mul3A_302, %bitcast_convert_type3A_298 : vector<16xf32>
        %sub3A_304 = arith.constant 1.500000e+00 : f32
        %sub3A_305 = vector.broadcast %sub3A_304 : f32 to vector<16xf32>
        %sub3A_306 = arith.subf %sub3A_305, %mul3A_303 : vector<16xf32>
        %mul3A_307 = arith.mulf %bitcast_convert_type3A_298, %sub3A_306 : vector<16xf32>
        %mul3A_308 = arith.constant 5.000000e-01 : f32
        %mul3A_309 = vector.broadcast %mul3A_308 : f32 to vector<16xf32>
        %mul3A_310 = arith.mulf %mul3A_309, %add3A_290 : vector<16xf32>
        %mul3A_311 = arith.mulf %mul3A_310, %mul3A_307 : vector<16xf32>
        %mul3A_312 = arith.mulf %mul3A_311, %mul3A_307 : vector<16xf32>
        %sub3A_313 = arith.constant 1.500000e+00 : f32
        %sub3A_314 = vector.broadcast %sub3A_313 : f32 to vector<16xf32>
        %sub3A_315 = arith.subf %sub3A_314, %mul3A_312 : vector<16xf32>
        %mul3A_316 = arith.mulf %mul3A_307, %sub3A_315 : vector<16xf32>
        %sub3A_317 = arith.subf %get3A_250, %mul3A_282 : vector<16xf32>
        %mul3A_318 = arith.mulf %sub3A_317, %mul3A_316 : vector<16xf32>
        %mul3A_319 = arith.mulf %mul3A_318, %get3A_3 : vector<16xf32>
        %add3A_320 = arith.addf %mul3A_319, %get3A_11 : vector<16xf32>
        %swap3A_321 = arith.index_cast %add3A_247 : i32 to index
        %swap3A_322 = arith.constant 0 : index
        %swap3A_323 = tpu.vector_load %arg11[%swap3A_321, %swap3A_322] {strides = array<i32>} : memref<256x64xf32, #tpu.memory_space<vmem>>, vector<16xf32>,
        tpu.vector_store %arg11[%swap3A_321, %swap3A_322], %add3A_320 {strides = array<i32>} : memref<256x64xf32, #tpu.memory_space<vmem>>, vector<16xf32>,
        %sub3A_324 = arith.subf %get3A_253, %mul3A_282 : vector<16xf32>
        %mul3A_325 = arith.mulf %sub3A_324, %mul3A_316 : vector<16xf32>
        %mul3A_326 = arith.mulf %mul3A_325, %get3A_5 : vector<16xf32>
        %add3A_327 = arith.addf %mul3A_326, %get3A_13 : vector<16xf32>
        %swap3A_328 = arith.index_cast %add3A_247 : i32 to index
        %swap3A_329 = arith.constant 16 : index
        %swap3A_330 = tpu.vector_load %arg11[%swap3A_328, %swap3A_329] {strides = array<i32>} : memref<256x64xf32, #tpu.memory_space<vmem>>, vector<16xf32>,
        tpu.vector_store %arg11[%swap3A_328, %swap3A_329], %add3A_327 {strides = array<i32>} : memref<256x64xf32, #tpu.memory_space<vmem>>, vector<16xf32>,
        %sub3A_331 = arith.subf %get3A_256, %mul3A_282 : vector<16xf32>
        %mul3A_332 = arith.mulf %sub3A_331, %mul3A_316 : vector<16xf32>
        %mul3A_333 = arith.mulf %mul3A_332, %get3A_7 : vector<16xf32>
        %add3A_334 = arith.addf %mul3A_333, %get3A_15 : vector<16xf32>
        %swap3A_335 = arith.index_cast %add3A_247 : i32 to index
        %swap3A_336 = arith.constant 32 : index
        %swap3A_337 = tpu.vector_load %arg11[%swap3A_335, %swap3A_336] {strides = array<i32>} : memref<256x64xf32, #tpu.memory_space<vmem>>, vector<16xf32>,
        tpu.vector_store %arg11[%swap3A_335, %swap3A_336], %add3A_334 {strides = array<i32>} : memref<256x64xf32, #tpu.memory_space<vmem>>, vector<16xf32>,
        %sub3A_338 = arith.subf %get3A_259, %mul3A_282 : vector<16xf32>
        %mul3A_339 = arith.mulf %sub3A_338, %mul3A_316 : vector<16xf32>
        %mul3A_340 = arith.mulf %mul3A_339, %get3A_9 : vector<16xf32>
        %add3A_341 = arith.addf %mul3A_340, %get3A_17 : vector<16xf32>
        %swap3A_342 = arith.index_cast %add3A_247 : i32 to index
        %swap3A_343 = arith.constant 48 : index
        %swap3A_344 = tpu.vector_load %arg11[%swap3A_342, %swap3A_343] {strides = array<i32>} : memref<256x64xf32, #tpu.memory_space<vmem>>, vector<16xf32>,
        tpu.vector_store %arg11[%swap3A_342, %swap3A_343], %add3A_341 {strides = array<i32>} : memref<256x64xf32, #tpu.memory_space<vmem>>, vector<16xf32>,
        %add3A_345 = arith.constant 2 : i32
        %add3A_346 = arith.addi %mul3A_152, %add3A_345 : i32
        %get3A_347 = arith.index_cast %add3A_346 : i32 to index
        %get3A_348 = arith.constant 0 : index
        %get3A_349 = tpu.vector_load %arg9[%get3A_347, %get3A_348] {strides = array<i32>} : memref<256x64xf32, #tpu.memory_space<vmem>>, vector<16xf32>,
        %get3A_350 = arith.index_cast %add3A_346 : i32 to index
        %get3A_351 = arith.constant 16 : index
        %get3A_352 = tpu.vector_load %arg9[%get3A_350, %get3A_351] {strides = array<i32>} : memref<256x64xf32, #tpu.memory_space<vmem>>, vector<16xf32>,
        %get3A_353 = arith.index_cast %add3A_346 : i32 to index
        %get3A_354 = arith.constant 32 : index
        %get3A_355 = tpu.vector_load %arg9[%get3A_353, %get3A_354] {strides = array<i32>} : memref<256x64xf32, #tpu.memory_space<vmem>>, vector<16xf32>,
        %get3A_356 = arith.index_cast %add3A_346 : i32 to index
        %get3A_357 = arith.constant 48 : index
        %get3A_358 = tpu.vector_load %arg9[%get3A_356, %get3A_357] {strides = array<i32>} : memref<256x64xf32, #tpu.memory_space<vmem>>, vector<16xf32>,
        %add3A_359 = arith.addf %get3A_349, %get3A_352 : vector<16xf32>
        %add3A_360 = arith.addf %add3A_359, %get3A_355 : vector<16xf32>
        %add3A_361 = arith.addf %add3A_360, %get3A_358 : vector<16xf32>
        %reduce_sum3A_362 = arith.constant true
        %reduce_sum3A_363 = vector.broadcast %reduce_sum3A_362 : i1 to vector<16xi1>
        %reduce_sum3A_364 = tpu.scan <sum>, %add3A_361 masked %reduce_sum3A_363 : vector<16xf32>, vector<16xi1> -> vector<16xf32>
        %reduce_sum3A_365 = vector.extract %reduce_sum3A_364[15] : f32 from vector<16xf32>
        %mul3A_366 = arith.mulf %get3A_349, %get3A_349 : vector<16xf32>
        %mul3A_367 = arith.mulf %get3A_352, %get3A_352 : vector<16xf32>
        %add3A_368 = arith.addf %mul3A_366, %mul3A_367 : vector<16xf32>
        %mul3A_369 = arith.mulf %get3A_355, %get3A_355 : vector<16xf32>
        %add3A_370 = arith.addf %add3A_368, %mul3A_369 : vector<16xf32>
        %mul3A_371 = arith.mulf %get3A_358, %get3A_358 : vector<16xf32>
        %add3A_372 = arith.addf %add3A_370, %mul3A_371 : vector<16xf32>
        %reduce_sum3A_373 = arith.constant true
        %reduce_sum3A_374 = vector.broadcast %reduce_sum3A_373 : i1 to vector<16xi1>
        %reduce_sum3A_375 = tpu.scan <sum>, %add3A_372 masked %reduce_sum3A_374 : vector<16xf32>, vector<16xi1> -> vector<16xf32>
        %reduce_sum3A_376 = vector.extract %reduce_sum3A_375[15] : f32 from vector<16xf32>
        %broadcast_in_dim3A_377 = vector.broadcast %reduce_sum3A_365 : f32 to vector<16xf32>
        %broadcast_in_dim3A_378 = vector.broadcast %reduce_sum3A_376 : f32 to vector<16xf32>
        %mul3A_379 = arith.constant 1.562500e-02 : f32
        %mul3A_380 = vector.broadcast %mul3A_379 : f32 to vector<16xf32>
        %mul3A_381 = arith.mulf %broadcast_in_dim3A_377, %mul3A_380 : vector<16xf32>
        %mul3A_382 = arith.constant 1.562500e-02 : f32
        %mul3A_383 = vector.broadcast %mul3A_382 : f32 to vector<16xf32>
        %mul3A_384 = arith.mulf %broadcast_in_dim3A_378, %mul3A_383 : vector<16xf32>
        %mul3A_385 = arith.mulf %mul3A_381, %mul3A_381 : vector<16xf32>
        %sub3A_386 = arith.subf %mul3A_384, %mul3A_385 : vector<16xf32>
        %add3A_387 = arith.constant 9.99999996E-13 : f32
        %add3A_388 = vector.broadcast %add3A_387 : f32 to vector<16xf32>
        %add3A_389 = arith.addf %sub3A_386, %add3A_388 : vector<16xf32>
        %bitcast_convert_type3A_390 = tpu.bitcast %add3A_389 : vector<16xf32> -> vector<16xi32>
        %shift_right_arithmetic3A_391 = arith.constant 1 : i32
        %shift_right_arithmetic3A_392 = vector.broadcast %shift_right_arithmetic3A_391 : i32 to vector<16xi32>
        %shift_right_arithmetic3A_393 = arith.shrsi %bitcast_convert_type3A_390, %shift_right_arithmetic3A_392 : vector<16xi32>
        %sub3A_394 = arith.constant 1597463007 : i32
        %sub3A_395 = vector.broadcast %sub3A_394 : i32 to vector<16xi32>
        %sub3A_396 = arith.subi %sub3A_395, %shift_right_arithmetic3A_393 : vector<16xi32>
        %bitcast_convert_type3A_397 = tpu.bitcast %sub3A_396 : vector<16xi32> -> vector<16xf32>
        %mul3A_398 = arith.constant 5.000000e-01 : f32
        %mul3A_399 = vector.broadcast %mul3A_398 : f32 to vector<16xf32>
        %mul3A_400 = arith.mulf %mul3A_399, %add3A_389 : vector<16xf32>
        %mul3A_401 = arith.mulf %mul3A_400, %bitcast_convert_type3A_397 : vector<16xf32>
        %mul3A_402 = arith.mulf %mul3A_401, %bitcast_convert_type3A_397 : vector<16xf32>
        %sub3A_403 = arith.constant 1.500000e+00 : f32
        %sub3A_404 = vector.broadcast %sub3A_403 : f32 to vector<16xf32>
        %sub3A_405 = arith.subf %sub3A_404, %mul3A_402 : vector<16xf32>
        %mul3A_406 = arith.mulf %bitcast_convert_type3A_397, %sub3A_405 : vector<16xf32>
        %mul3A_407 = arith.constant 5.000000e-01 : f32
        %mul3A_408 = vector.broadcast %mul3A_407 : f32 to vector<16xf32>
        %mul3A_409 = arith.mulf %mul3A_408, %add3A_389 : vector<16xf32>
        %mul3A_410 = arith.mulf %mul3A_409, %mul3A_406 : vector<16xf32>
        %mul3A_411 = arith.mulf %mul3A_410, %mul3A_406 : vector<16xf32>
        %sub3A_412 = arith.constant 1.500000e+00 : f32
        %sub3A_413 = vector.broadcast %sub3A_412 : f32 to vector<16xf32>
        %sub3A_414 = arith.subf %sub3A_413, %mul3A_411 : vector<16xf32>
        %mul3A_415 = arith.mulf %mul3A_406, %sub3A_414 : vector<16xf32>
        %sub3A_416 = arith.subf %get3A_349, %mul3A_381 : vector<16xf32>
        %mul3A_417 = arith.mulf %sub3A_416, %mul3A_415 : vector<16xf32>
        %mul3A_418 = arith.mulf %mul3A_417, %get3A_3 : vector<16xf32>
        %add3A_419 = arith.addf %mul3A_418, %get3A_11 : vector<16xf32>
        %swap3A_420 = arith.index_cast %add3A_346 : i32 to index
        %swap3A_421 = arith.constant 0 : index
        %swap3A_422 = tpu.vector_load %arg11[%swap3A_420, %swap3A_421] {strides = array<i32>} : memref<256x64xf32, #tpu.memory_space<vmem>>, vector<16xf32>,
        tpu.vector_store %arg11[%swap3A_420, %swap3A_421], %add3A_419 {strides = array<i32>} : memref<256x64xf32, #tpu.memory_space<vmem>>, vector<16xf32>,
        %sub3A_423 = arith.subf %get3A_352, %mul3A_381 : vector<16xf32>
        %mul3A_424 = arith.mulf %sub3A_423, %mul3A_415 : vector<16xf32>
        %mul3A_425 = arith.mulf %mul3A_424, %get3A_5 : vector<16xf32>
        %add3A_426 = arith.addf %mul3A_425, %get3A_13 : vector<16xf32>
        %swap3A_427 = arith.index_cast %add3A_346 : i32 to index
        %swap3A_428 = arith.constant 16 : index
        %swap3A_429 = tpu.vector_load %arg11[%swap3A_427, %swap3A_428] {strides = array<i32>} : memref<256x64xf32, #tpu.memory_space<vmem>>, vector<16xf32>,
        tpu.vector_store %arg11[%swap3A_427, %swap3A_428], %add3A_426 {strides = array<i32>} : memref<256x64xf32, #tpu.memory_space<vmem>>, vector<16xf32>,
        %sub3A_430 = arith.subf %get3A_355, %mul3A_381 : vector<16xf32>
        %mul3A_431 = arith.mulf %sub3A_430, %mul3A_415 : vector<16xf32>
        %mul3A_432 = arith.mulf %mul3A_431, %get3A_7 : vector<16xf32>
        %add3A_433 = arith.addf %mul3A_432, %get3A_15 : vector<16xf32>
        %swap3A_434 = arith.index_cast %add3A_346 : i32 to index
        %swap3A_435 = arith.constant 32 : index
        %swap3A_436 = tpu.vector_load %arg11[%swap3A_434, %swap3A_435] {strides = array<i32>} : memref<256x64xf32, #tpu.memory_space<vmem>>, vector<16xf32>,
        tpu.vector_store %arg11[%swap3A_434, %swap3A_435], %add3A_433 {strides = array<i32>} : memref<256x64xf32, #tpu.memory_space<vmem>>, vector<16xf32>,
        %sub3A_437 = arith.subf %get3A_358, %mul3A_381 : vector<16xf32>
        %mul3A_438 = arith.mulf %sub3A_437, %mul3A_415 : vector<16xf32>
        %mul3A_439 = arith.mulf %mul3A_438, %get3A_9 : vector<16xf32>
        %add3A_440 = arith.addf %mul3A_439, %get3A_17 : vector<16xf32>
        %swap3A_441 = arith.index_cast %add3A_346 : i32 to index
        %swap3A_442 = arith.constant 48 : index
        %swap3A_443 = tpu.vector_load %arg11[%swap3A_441, %swap3A_442] {strides = array<i32>} : memref<256x64xf32, #tpu.memory_space<vmem>>, vector<16xf32>,
        tpu.vector_store %arg11[%swap3A_441, %swap3A_442], %add3A_440 {strides = array<i32>} : memref<256x64xf32, #tpu.memory_space<vmem>>, vector<16xf32>,
        %add3A_444 = arith.constant 3 : i32
        %add3A_445 = arith.addi %mul3A_152, %add3A_444 : i32
        %get3A_446 = arith.index_cast %add3A_445 : i32 to index
        %get3A_447 = arith.constant 0 : index
        %get3A_448 = tpu.vector_load %arg9[%get3A_446, %get3A_447] {strides = array<i32>} : memref<256x64xf32, #tpu.memory_space<vmem>>, vector<16xf32>,
        %get3A_449 = arith.index_cast %add3A_445 : i32 to index
        %get3A_450 = arith.constant 16 : index
        %get3A_451 = tpu.vector_load %arg9[%get3A_449, %get3A_450] {strides = array<i32>} : memref<256x64xf32, #tpu.memory_space<vmem>>, vector<16xf32>,
        %get3A_452 = arith.index_cast %add3A_445 : i32 to index
        %get3A_453 = arith.constant 32 : index
        %get3A_454 = tpu.vector_load %arg9[%get3A_452, %get3A_453] {strides = array<i32>} : memref<256x64xf32, #tpu.memory_space<vmem>>, vector<16xf32>,
        %get3A_455 = arith.index_cast %add3A_445 : i32 to index
        %get3A_456 = arith.constant 48 : index
        %get3A_457 = tpu.vector_load %arg9[%get3A_455, %get3A_456] {strides = array<i32>} : memref<256x64xf32, #tpu.memory_space<vmem>>, vector<16xf32>,
        %add3A_458 = arith.addf %get3A_448, %get3A_451 : vector<16xf32>
        %add3A_459 = arith.addf %add3A_458, %get3A_454 : vector<16xf32>
        %add3A_460 = arith.addf %add3A_459, %get3A_457 : vector<16xf32>
        %reduce_sum3A_461 = arith.constant true
        %reduce_sum3A_462 = vector.broadcast %reduce_sum3A_461 : i1 to vector<16xi1>
        %reduce_sum3A_463 = tpu.scan <sum>, %add3A_460 masked %reduce_sum3A_462 : vector<16xf32>, vector<16xi1> -> vector<16xf32>
        %reduce_sum3A_464 = vector.extract %reduce_sum3A_463[15] : f32 from vector<16xf32>
        %mul3A_465 = arith.mulf %get3A_448, %get3A_448 : vector<16xf32>
        %mul3A_466 = arith.mulf %get3A_451, %get3A_451 : vector<16xf32>
        %add3A_467 = arith.addf %mul3A_465, %mul3A_466 : vector<16xf32>
        %mul3A_468 = arith.mulf %get3A_454, %get3A_454 : vector<16xf32>
        %add3A_469 = arith.addf %add3A_467, %mul3A_468 : vector<16xf32>
        %mul3A_470 = arith.mulf %get3A_457, %get3A_457 : vector<16xf32>
        %add3A_471 = arith.addf %add3A_469, %mul3A_470 : vector<16xf32>
        %reduce_sum3A_472 = arith.constant true
        %reduce_sum3A_473 = vector.broadcast %reduce_sum3A_472 : i1 to vector<16xi1>
        %reduce_sum3A_474 = tpu.scan <sum>, %add3A_471 masked %reduce_sum3A_473 : vector<16xf32>, vector<16xi1> -> vector<16xf32>
        %reduce_sum3A_475 = vector.extract %reduce_sum3A_474[15] : f32 from vector<16xf32>
        %broadcast_in_dim3A_476 = vector.broadcast %reduce_sum3A_464 : f32 to vector<16xf32>
        %broadcast_in_dim3A_477 = vector.broadcast %reduce_sum3A_475 : f32 to vector<16xf32>
        %mul3A_478 = arith.constant 1.562500e-02 : f32
        %mul3A_479 = vector.broadcast %mul3A_478 : f32 to vector<16xf32>
        %mul3A_480 = arith.mulf %broadcast_in_dim3A_476, %mul3A_479 : vector<16xf32>
        %mul3A_481 = arith.constant 1.562500e-02 : f32
        %mul3A_482 = vector.broadcast %mul3A_481 : f32 to vector<16xf32>
        %mul3A_483 = arith.mulf %broadcast_in_dim3A_477, %mul3A_482 : vector<16xf32>
        %mul3A_484 = arith.mulf %mul3A_480, %mul3A_480 : vector<16xf32>
        %sub3A_485 = arith.subf %mul3A_483, %mul3A_484 : vector<16xf32>
        %add3A_486 = arith.constant 9.99999996E-13 : f32
        %add3A_487 = vector.broadcast %add3A_486 : f32 to vector<16xf32>
        %add3A_488 = arith.addf %sub3A_485, %add3A_487 : vector<16xf32>
        %bitcast_convert_type3A_489 = tpu.bitcast %add3A_488 : vector<16xf32> -> vector<16xi32>
        %shift_right_arithmetic3A_490 = arith.constant 1 : i32
        %shift_right_arithmetic3A_491 = vector.broadcast %shift_right_arithmetic3A_490 : i32 to vector<16xi32>
        %shift_right_arithmetic3A_492 = arith.shrsi %bitcast_convert_type3A_489, %shift_right_arithmetic3A_491 : vector<16xi32>
        %sub3A_493 = arith.constant 1597463007 : i32
        %sub3A_494 = vector.broadcast %sub3A_493 : i32 to vector<16xi32>
        %sub3A_495 = arith.subi %sub3A_494, %shift_right_arithmetic3A_492 : vector<16xi32>
        %bitcast_convert_type3A_496 = tpu.bitcast %sub3A_495 : vector<16xi32> -> vector<16xf32>
        %mul3A_497 = arith.constant 5.000000e-01 : f32
        %mul3A_498 = vector.broadcast %mul3A_497 : f32 to vector<16xf32>
        %mul3A_499 = arith.mulf %mul3A_498, %add3A_488 : vector<16xf32>
        %mul3A_500 = arith.mulf %mul3A_499, %bitcast_convert_type3A_496 : vector<16xf32>
        %mul3A_501 = arith.mulf %mul3A_500, %bitcast_convert_type3A_496 : vector<16xf32>
        %sub3A_502 = arith.constant 1.500000e+00 : f32
        %sub3A_503 = vector.broadcast %sub3A_502 : f32 to vector<16xf32>
        %sub3A_504 = arith.subf %sub3A_503, %mul3A_501 : vector<16xf32>
        %mul3A_505 = arith.mulf %bitcast_convert_type3A_496, %sub3A_504 : vector<16xf32>
        %mul3A_506 = arith.constant 5.000000e-01 : f32
        %mul3A_507 = vector.broadcast %mul3A_506 : f32 to vector<16xf32>
        %mul3A_508 = arith.mulf %mul3A_507, %add3A_488 : vector<16xf32>
        %mul3A_509 = arith.mulf %mul3A_508, %mul3A_505 : vector<16xf32>
        %mul3A_510 = arith.mulf %mul3A_509, %mul3A_505 : vector<16xf32>
        %sub3A_511 = arith.constant 1.500000e+00 : f32
        %sub3A_512 = vector.broadcast %sub3A_511 : f32 to vector<16xf32>
        %sub3A_513 = arith.subf %sub3A_512, %mul3A_510 : vector<16xf32>
        %mul3A_514 = arith.mulf %mul3A_505, %sub3A_513 : vector<16xf32>
        %sub3A_515 = arith.subf %get3A_448, %mul3A_480 : vector<16xf32>
        %mul3A_516 = arith.mulf %sub3A_515, %mul3A_514 : vector<16xf32>
        %mul3A_517 = arith.mulf %mul3A_516, %get3A_3 : vector<16xf32>
        %add3A_518 = arith.addf %mul3A_517, %get3A_11 : vector<16xf32>
        %swap3A_519 = arith.index_cast %add3A_445 : i32 to index
        %swap3A_520 = arith.constant 0 : index
        %swap3A_521 = tpu.vector_load %arg11[%swap3A_519, %swap3A_520] {strides = array<i32>} : memref<256x64xf32, #tpu.memory_space<vmem>>, vector<16xf32>,
        tpu.vector_store %arg11[%swap3A_519, %swap3A_520], %add3A_518 {strides = array<i32>} : memref<256x64xf32, #tpu.memory_space<vmem>>, vector<16xf32>,
        %sub3A_522 = arith.subf %get3A_451, %mul3A_480 : vector<16xf32>
        %mul3A_523 = arith.mulf %sub3A_522, %mul3A_514 : vector<16xf32>
        %mul3A_524 = arith.mulf %mul3A_523, %get3A_5 : vector<16xf32>
        %add3A_525 = arith.addf %mul3A_524, %get3A_13 : vector<16xf32>
        %swap3A_526 = arith.index_cast %add3A_445 : i32 to index
        %swap3A_527 = arith.constant 16 : index
        %swap3A_528 = tpu.vector_load %arg11[%swap3A_526, %swap3A_527] {strides = array<i32>} : memref<256x64xf32, #tpu.memory_space<vmem>>, vector<16xf32>,
        tpu.vector_store %arg11[%swap3A_526, %swap3A_527], %add3A_525 {strides = array<i32>} : memref<256x64xf32, #tpu.memory_space<vmem>>, vector<16xf32>,
        %sub3A_529 = arith.subf %get3A_454, %mul3A_480 : vector<16xf32>
        %mul3A_530 = arith.mulf %sub3A_529, %mul3A_514 : vector<16xf32>
        %mul3A_531 = arith.mulf %mul3A_530, %get3A_7 : vector<16xf32>
        %add3A_532 = arith.addf %mul3A_531, %get3A_15 : vector<16xf32>
        %swap3A_533 = arith.index_cast %add3A_445 : i32 to index
        %swap3A_534 = arith.constant 32 : index
        %swap3A_535 = tpu.vector_load %arg11[%swap3A_533, %swap3A_534] {strides = array<i32>} : memref<256x64xf32, #tpu.memory_space<vmem>>, vector<16xf32>,
        tpu.vector_store %arg11[%swap3A_533, %swap3A_534], %add3A_532 {strides = array<i32>} : memref<256x64xf32, #tpu.memory_space<vmem>>, vector<16xf32>,
        %sub3A_536 = arith.subf %get3A_457, %mul3A_480 : vector<16xf32>
        %mul3A_537 = arith.mulf %sub3A_536, %mul3A_514 : vector<16xf32>
        %mul3A_538 = arith.mulf %mul3A_537, %get3A_9 : vector<16xf32>
        %add3A_539 = arith.addf %mul3A_538, %get3A_17 : vector<16xf32>
        %swap3A_540 = arith.index_cast %add3A_445 : i32 to index
        %swap3A_541 = arith.constant 48 : index
        %swap3A_542 = tpu.vector_load %arg11[%swap3A_540, %swap3A_541] {strides = array<i32>} : memref<256x64xf32, #tpu.memory_space<vmem>>, vector<16xf32>,
        tpu.vector_store %arg11[%swap3A_540, %swap3A_541], %add3A_539 {strides = array<i32>} : memref<256x64xf32, #tpu.memory_space<vmem>>, vector<16xf32>,
        %scan3A_543 = arith.constant 0 : i32
        scf.yield %scan3A_543 : i32
      }
      %scan3A_101 = arith.constant 64 : i32
      %mul3A_102 = arith.constant 256 : i32
      %mul3A_103 = arith.muli %mul3A_55, %mul3A_102 : i32
      %add3A_104 = arith.addi %mul3A_2, %mul3A_103 : i32
      %dma_start3A_105 = arith.constant 0 : i32
      %dma_start3A_106 = tpu.memref_slice %arg6[%add3A_104, %dma_start3A_105] : memref<819200x64xf32, #tpu.memory_space<hbm>> -> memref<256x64xf32, #tpu.memory_space<hbm>>
      %dma_start3A_107 = arith.constant 0 : i32
      %dma_start3A_108 = tpu.memref_slice %arg6[%add3A_104, %dma_start3A_107] : memref<819200x64xf32, #tpu.memory_space<hbm>> -> memref<256x64xf32, #tpu.memory_space<hbm>>
      tpu.enqueue_dma source(%arg11 : memref<256x64xf32, #tpu.memory_space<vmem>>) target(%dma_start3A_108 : memref<256x64xf32, #tpu.memory_space<hbm>>) target_semaphore(%arg17 : memref<!tpu.dma_semaphore, #tpu.memory_space<semaphore_mem>>)
      %lt3A = arith.constant 49 : i32
      %lt3A_109 = arith.cmpi slt, %scan3A_52, %lt3A : i32
      %convert_element_type3A_110 = arith.extui %lt3A_109 : i1 to i32
      %cond3A_111 = arith.constant 0 : i32
      %cond3A_112 = arith.cmpi ne, %convert_element_type3A_110, %cond3A_111 : i32
      scf.if %cond3A_112 {
        %add3A_149 = arith.constant 2 : i32
        %add3A_150 = arith.addi %mul3A_55, %add3A_149 : i32
        %mul3A_151 = arith.constant 256 : i32
        %mul3A_152 = arith.muli %add3A_150, %mul3A_151 : i32
        %add3A_153 = arith.addi %mul3A_2, %mul3A_152 : i32
        "tpu.region"() ({
          %run_scoped3A = tpu.sem_alloc : memref<!tpu.dma_semaphore, #tpu.memory_space<semaphore_mem>>
          %dma_start3A_170 = tpu.memref_slice %arg2[%add3A_153] : memref<819200xi32, #tpu.memory_space<hbm>> -> memref<256xi32, #tpu.memory_space<hbm>>
          %dma_start3A_171 = tpu.memref_slice %arg2[%add3A_153] : memref<819200xi32, #tpu.memory_space<hbm>> -> memref<256xi32, #tpu.memory_space<hbm>>
          tpu.enqueue_dma source(%dma_start3A_171 : memref<256xi32, #tpu.memory_space<hbm>>) target(%arg7 : memref<256xi32, #tpu.memory_space<vmem>>) target_semaphore(%run_scoped3A : memref<!tpu.dma_semaphore, #tpu.memory_space<semaphore_mem>>)
          %dma_wait3A_172 = tpu.memref_slice %arg2[%add3A_153] : memref<819200xi32, #tpu.memory_space<hbm>> -> memref<256xi32, #tpu.memory_space<hbm>>
          %dma_wait3A_173 = tpu.memref_slice %arg2[%add3A_153] : memref<819200xi32, #tpu.memory_space<hbm>> -> memref<256xi32, #tpu.memory_space<hbm>>
          tpu.wait_dma2 semaphore(%run_scoped3A : memref<!tpu.dma_semaphore, #tpu.memory_space<semaphore_mem>>) src(%dma_wait3A_173 : memref<256xi32, #tpu.memory_space<hbm>>) dst(%arg7 : memref<256xi32, #tpu.memory_space<vmem>>)
          tpu.yield
        }) : () -> ()
        %dma_start3A_154 = arith.constant 0 : i32
        %dma_start3A_155 = arith.constant 0 : i32
        %dma_start3A_156 = tpu.memref_slice %arg9[%dma_start3A_154, %dma_start3A_155] : memref<256x64xf32, #tpu.memory_space<vmem>> -> memref<128x64xf32, #tpu.memory_space<vmem>>
        %dma_start3A_157 = arith.constant 0 : i32
        %dma_start3A_158 = tpu.memref_slice %arg7[%dma_start3A_157] : memref<256xi32, #tpu.memory_space<vmem>> -> memref<128xi32, #tpu.memory_space<vmem>>
        %dma_start3A_159 = arith.constant 0 : i32
        %dma_start3A_160 = arith.constant 0 : i32
        %dma_start3A_161 = tpu.memref_slice %arg3[%dma_start3A_159, %dma_start3A_160] : memref<1000000x64xf32, #tpu.memory_space<hbm>> -> memref<1000000x64xf32, #tpu.memory_space<hbm>>
        tpu.enqueue_indirect_dma source(%dma_start3A_161 : memref<1000000x64xf32, #tpu.memory_space<hbm>>) target(%dma_start3A_156 : memref<128x64xf32, #tpu.memory_space<vmem>>) offsets(%dma_start3A_158 : memref<128xi32, #tpu.memory_space<vmem>>) semaphore(%arg15 : memref<!tpu.dma_semaphore, #tpu.memory_space<semaphore_mem>>)
        %dma_start3A_162 = arith.constant 128 : i32
        %dma_start3A_163 = arith.constant 0 : i32
        %dma_start3A_164 = tpu.memref_slice %arg9[%dma_start3A_162, %dma_start3A_163] : memref<256x64xf32, #tpu.memory_space<vmem>> -> memref<128x64xf32, #tpu.memory_space<vmem>>
        %dma_start3A_165 = arith.constant 128 : i32
        %dma_start3A_166 = tpu.memref_slice %arg7[%dma_start3A_165] : memref<256xi32, #tpu.memory_space<vmem>> -> memref<128xi32, #tpu.memory_space<vmem>>
        %dma_start3A_167 = arith.constant 0 : i32
        %dma_start3A_168 = arith.constant 0 : i32
        %dma_start3A_169 = tpu.memref_slice %arg3[%dma_start3A_167, %dma_start3A_168] : memref<1000000x64xf32, #tpu.memory_space<hbm>> -> memref<1000000x64xf32, #tpu.memory_space<hbm>>
        tpu.enqueue_indirect_dma source(%dma_start3A_169 : memref<1000000x64xf32, #tpu.memory_space<hbm>>) target(%dma_start3A_164 : memref<128x64xf32, #tpu.memory_space<vmem>>) offsets(%dma_start3A_166 : memref<128xi32, #tpu.memory_space<vmem>>) semaphore(%arg15 : memref<!tpu.dma_semaphore, #tpu.memory_space<semaphore_mem>>)
      } else {
      }
      %dma_wait3A_113 = arith.constant 0 : i32
      %dma_wait3A_114 = arith.constant 0 : i32
      %dma_wait3A_115 = tpu.memref_slice %arg10[%dma_wait3A_113, %dma_wait3A_114] : memref<256x64xf32, #tpu.memory_space<vmem>> -> memref<128x64xf32, #tpu.memory_space<vmem>>
      %dma_wait3A_116 = arith.constant 0 : i32
      %dma_wait3A_117 = tpu.memref_slice %arg8[%dma_wait3A_116] : memref<256xi32, #tpu.memory_space<vmem>> -> memref<128xi32, #tpu.memory_space<vmem>>
      %dma_wait3A_118 = arith.constant 0 : i32
      %dma_wait3A_119 = arith.constant 0 : i32
      %dma_wait3A_120 = tpu.memref_slice %arg3[%dma_wait3A_118, %dma_wait3A_119] : memref<1000000x64xf32, #tpu.memory_space<hbm>> -> memref<1000000x64xf32, #tpu.memory_space<hbm>>
      tpu.wait_indirect_dma semaphore(%arg16 : memref<!tpu.dma_semaphore, #tpu.memory_space<semaphore_mem>>) src(%dma_wait3A_120 : memref<1000000x64xf32, #tpu.memory_space<hbm>>) dst(%dma_wait3A_115 : memref<128x64xf32, #tpu.memory_space<vmem>>)
      %dma_wait3A_121 = arith.constant 128 : i32
      %dma_wait3A_122 = arith.constant 0 : i32
      %dma_wait3A_123 = tpu.memref_slice %arg10[%dma_wait3A_121, %dma_wait3A_122] : memref<256x64xf32, #tpu.memory_space<vmem>> -> memref<128x64xf32, #tpu.memory_space<vmem>>
      %dma_wait3A_124 = arith.constant 128 : i32
      %dma_wait3A_125 = tpu.memref_slice %arg8[%dma_wait3A_124] : memref<256xi32, #tpu.memory_space<vmem>> -> memref<128xi32, #tpu.memory_space<vmem>>
      %dma_wait3A_126 = arith.constant 0 : i32
      %dma_wait3A_127 = arith.constant 0 : i32
      %dma_wait3A_128 = tpu.memref_slice %arg3[%dma_wait3A_126, %dma_wait3A_127] : memref<1000000x64xf32, #tpu.memory_space<hbm>> -> memref<1000000x64xf32, #tpu.memory_space<hbm>>
      tpu.wait_indirect_dma semaphore(%arg16 : memref<!tpu.dma_semaphore, #tpu.memory_space<semaphore_mem>>) src(%dma_wait3A_128 : memref<1000000x64xf32, #tpu.memory_space<hbm>>) dst(%dma_wait3A_123 : memref<128x64xf32, #tpu.memory_space<vmem>>)
      %gt3A_129 = arith.constant 0 : i32
      %gt3A_130 = arith.cmpi sgt, %scan3A_52, %gt3A_129 : i32
      %convert_element_type3A_131 = arith.extui %gt3A_130 : i1 to i32
      %cond3A_132 = arith.constant 0 : i32
      %cond3A_133 = arith.cmpi ne, %convert_element_type3A_131, %cond3A_132 : i32
      scf.if %cond3A_133 {
        %sub3A = arith.constant 2 : i32
        %sub3A_149 = arith.subi %add3A_57, %sub3A : i32
        %mul3A_150 = arith.constant 256 : i32
        %mul3A_151 = arith.muli %sub3A_149, %mul3A_150 : i32
        %add3A_152 = arith.addi %mul3A_2, %mul3A_151 : i32
        %dma_wait3A_153 = arith.constant 0 : i32
        %dma_wait3A_154 = tpu.memref_slice %arg6[%add3A_152, %dma_wait3A_153] : memref<819200x64xf32, #tpu.memory_space<hbm>> -> memref<256x64xf32, #tpu.memory_space<hbm>>
        %dma_wait3A_155 = arith.constant 0 : i32
        %dma_wait3A_156 = tpu.memref_slice %arg6[%add3A_152, %dma_wait3A_155] : memref<819200x64xf32, #tpu.memory_space<hbm>> -> memref<256x64xf32, #tpu.memory_space<hbm>>
        tpu.wait_dma2 semaphore(%arg18 : memref<!tpu.dma_semaphore, #tpu.memory_space<semaphore_mem>>) src(%arg12 : memref<256x64xf32, #tpu.memory_space<vmem>>) dst(%dma_wait3A_156 : memref<256x64xf32, #tpu.memory_space<hbm>>)
      } else {
      }
      %scan3A_134 = arith.constant 0 : i32
      %scan3A_135 = arith.constant 0 : i32
      %scan3A_136 = arith.constant 64 : i32
      %scan3A_137 = arith.addi %scan3A_135, %scan3A_136 : i32
      %scan3A_138 = arith.constant 1 : i32
      %scan3A_139 = scf.for %scan3A_149 = %scan3A_135 to %scan3A_137 step %scan3A_138 iter_args(%scan3A_150 = %scan3A_134) -> (i32)  : i32 {
        %mul3A_151 = arith.constant 4 : i32
        %mul3A_152 = arith.muli %scan3A_149, %mul3A_151 : i32
        %add3A_153 = arith.constant 0 : i32
        %add3A_154 = arith.addi %mul3A_152, %add3A_153 : i32
        %get3A_155 = arith.index_cast %add3A_154 : i32 to index
        %get3A_156 = arith.constant 0 : index
        %get3A_157 = tpu.vector_load %arg10[%get3A_155, %get3A_156] {strides = array<i32>} : memref<256x64xf32, #tpu.memory_space<vmem>>, vector<16xf32>,
        %get3A_158 = arith.index_cast %add3A_154 : i32 to index
        %get3A_159 = arith.constant 16 : index
        %get3A_160 = tpu.vector_load %arg10[%get3A_158, %get3A_159] {strides = array<i32>} : memref<256x64xf32, #tpu.memory_space<vmem>>, vector<16xf32>,
        %get3A_161 = arith.index_cast %add3A_154 : i32 to index
        %get3A_162 = arith.constant 32 : index
        %get3A_163 = tpu.vector_load %arg10[%get3A_161, %get3A_162] {strides = array<i32>} : memref<256x64xf32, #tpu.memory_space<vmem>>, vector<16xf32>,
        %get3A_164 = arith.index_cast %add3A_154 : i32 to index
        %get3A_165 = arith.constant 48 : index
        %get3A_166 = tpu.vector_load %arg10[%get3A_164, %get3A_165] {strides = array<i32>} : memref<256x64xf32, #tpu.memory_space<vmem>>, vector<16xf32>,
        %add3A_167 = arith.addf %get3A_157, %get3A_160 : vector<16xf32>
        %add3A_168 = arith.addf %add3A_167, %get3A_163 : vector<16xf32>
        %add3A_169 = arith.addf %add3A_168, %get3A_166 : vector<16xf32>
        %reduce_sum3A = arith.constant true
        %reduce_sum3A_170 = vector.broadcast %reduce_sum3A : i1 to vector<16xi1>
        %reduce_sum3A_171 = tpu.scan <sum>, %add3A_169 masked %reduce_sum3A_170 : vector<16xf32>, vector<16xi1> -> vector<16xf32>
        %reduce_sum3A_172 = vector.extract %reduce_sum3A_171[15] : f32 from vector<16xf32>
        %mul3A_173 = arith.mulf %get3A_157, %get3A_157 : vector<16xf32>
        %mul3A_174 = arith.mulf %get3A_160, %get3A_160 : vector<16xf32>
        %add3A_175 = arith.addf %mul3A_173, %mul3A_174 : vector<16xf32>
        %mul3A_176 = arith.mulf %get3A_163, %get3A_163 : vector<16xf32>
        %add3A_177 = arith.addf %add3A_175, %mul3A_176 : vector<16xf32>
        %mul3A_178 = arith.mulf %get3A_166, %get3A_166 : vector<16xf32>
        %add3A_179 = arith.addf %add3A_177, %mul3A_178 : vector<16xf32>
        %reduce_sum3A_180 = arith.constant true
        %reduce_sum3A_181 = vector.broadcast %reduce_sum3A_180 : i1 to vector<16xi1>
        %reduce_sum3A_182 = tpu.scan <sum>, %add3A_179 masked %reduce_sum3A_181 : vector<16xf32>, vector<16xi1> -> vector<16xf32>
        %reduce_sum3A_183 = vector.extract %reduce_sum3A_182[15] : f32 from vector<16xf32>
        %broadcast_in_dim3A = vector.broadcast %reduce_sum3A_172 : f32 to vector<16xf32>
        %broadcast_in_dim3A_184 = vector.broadcast %reduce_sum3A_183 : f32 to vector<16xf32>
        %mul3A_185 = arith.constant 1.562500e-02 : f32
        %mul3A_186 = vector.broadcast %mul3A_185 : f32 to vector<16xf32>
        %mul3A_187 = arith.mulf %broadcast_in_dim3A, %mul3A_186 : vector<16xf32>
        %mul3A_188 = arith.constant 1.562500e-02 : f32
        %mul3A_189 = vector.broadcast %mul3A_188 : f32 to vector<16xf32>
        %mul3A_190 = arith.mulf %broadcast_in_dim3A_184, %mul3A_189 : vector<16xf32>
        %mul3A_191 = arith.mulf %mul3A_187, %mul3A_187 : vector<16xf32>
        %sub3A = arith.subf %mul3A_190, %mul3A_191 : vector<16xf32>
        %add3A_192 = arith.constant 9.99999996E-13 : f32
        %add3A_193 = vector.broadcast %add3A_192 : f32 to vector<16xf32>
        %add3A_194 = arith.addf %sub3A, %add3A_193 : vector<16xf32>
        %bitcast_convert_type3A = tpu.bitcast %add3A_194 : vector<16xf32> -> vector<16xi32>
        %shift_right_arithmetic3A = arith.constant 1 : i32
        %shift_right_arithmetic3A_195 = vector.broadcast %shift_right_arithmetic3A : i32 to vector<16xi32>
        %shift_right_arithmetic3A_196 = arith.shrsi %bitcast_convert_type3A, %shift_right_arithmetic3A_195 : vector<16xi32>
        %sub3A_197 = arith.constant 1597463007 : i32
        %sub3A_198 = vector.broadcast %sub3A_197 : i32 to vector<16xi32>
        %sub3A_199 = arith.subi %sub3A_198, %shift_right_arithmetic3A_196 : vector<16xi32>
        %bitcast_convert_type3A_200 = tpu.bitcast %sub3A_199 : vector<16xi32> -> vector<16xf32>
        %mul3A_201 = arith.constant 5.000000e-01 : f32
        %mul3A_202 = vector.broadcast %mul3A_201 : f32 to vector<16xf32>
        %mul3A_203 = arith.mulf %mul3A_202, %add3A_194 : vector<16xf32>
        %mul3A_204 = arith.mulf %mul3A_203, %bitcast_convert_type3A_200 : vector<16xf32>
        %mul3A_205 = arith.mulf %mul3A_204, %bitcast_convert_type3A_200 : vector<16xf32>
        %sub3A_206 = arith.constant 1.500000e+00 : f32
        %sub3A_207 = vector.broadcast %sub3A_206 : f32 to vector<16xf32>
        %sub3A_208 = arith.subf %sub3A_207, %mul3A_205 : vector<16xf32>
        %mul3A_209 = arith.mulf %bitcast_convert_type3A_200, %sub3A_208 : vector<16xf32>
        %mul3A_210 = arith.constant 5.000000e-01 : f32
        %mul3A_211 = vector.broadcast %mul3A_210 : f32 to vector<16xf32>
        %mul3A_212 = arith.mulf %mul3A_211, %add3A_194 : vector<16xf32>
        %mul3A_213 = arith.mulf %mul3A_212, %mul3A_209 : vector<16xf32>
        %mul3A_214 = arith.mulf %mul3A_213, %mul3A_209 : vector<16xf32>
        %sub3A_215 = arith.constant 1.500000e+00 : f32
        %sub3A_216 = vector.broadcast %sub3A_215 : f32 to vector<16xf32>
        %sub3A_217 = arith.subf %sub3A_216, %mul3A_214 : vector<16xf32>
        %mul3A_218 = arith.mulf %mul3A_209, %sub3A_217 : vector<16xf32>
        %sub3A_219 = arith.subf %get3A_157, %mul3A_187 : vector<16xf32>
        %mul3A_220 = arith.mulf %sub3A_219, %mul3A_218 : vector<16xf32>
        %mul3A_221 = arith.mulf %mul3A_220, %get3A_3 : vector<16xf32>
        %add3A_222 = arith.addf %mul3A_221, %get3A_11 : vector<16xf32>
        %swap3A = arith.index_cast %add3A_154 : i32 to index
        %swap3A_223 = arith.constant 0 : index
        %swap3A_224 = tpu.vector_load %arg12[%swap3A, %swap3A_223] {strides = array<i32>} : memref<256x64xf32, #tpu.memory_space<vmem>>, vector<16xf32>,
        tpu.vector_store %arg12[%swap3A, %swap3A_223], %add3A_222 {strides = array<i32>} : memref<256x64xf32, #tpu.memory_space<vmem>>, vector<16xf32>,
        %sub3A_225 = arith.subf %get3A_160, %mul3A_187 : vector<16xf32>
        %mul3A_226 = arith.mulf %sub3A_225, %mul3A_218 : vector<16xf32>
        %mul3A_227 = arith.mulf %mul3A_226, %get3A_5 : vector<16xf32>
        %add3A_228 = arith.addf %mul3A_227, %get3A_13 : vector<16xf32>
        %swap3A_229 = arith.index_cast %add3A_154 : i32 to index
        %swap3A_230 = arith.constant 16 : index
        %swap3A_231 = tpu.vector_load %arg12[%swap3A_229, %swap3A_230] {strides = array<i32>} : memref<256x64xf32, #tpu.memory_space<vmem>>, vector<16xf32>,
        tpu.vector_store %arg12[%swap3A_229, %swap3A_230], %add3A_228 {strides = array<i32>} : memref<256x64xf32, #tpu.memory_space<vmem>>, vector<16xf32>,
        %sub3A_232 = arith.subf %get3A_163, %mul3A_187 : vector<16xf32>
        %mul3A_233 = arith.mulf %sub3A_232, %mul3A_218 : vector<16xf32>
        %mul3A_234 = arith.mulf %mul3A_233, %get3A_7 : vector<16xf32>
        %add3A_235 = arith.addf %mul3A_234, %get3A_15 : vector<16xf32>
        %swap3A_236 = arith.index_cast %add3A_154 : i32 to index
        %swap3A_237 = arith.constant 32 : index
        %swap3A_238 = tpu.vector_load %arg12[%swap3A_236, %swap3A_237] {strides = array<i32>} : memref<256x64xf32, #tpu.memory_space<vmem>>, vector<16xf32>,
        tpu.vector_store %arg12[%swap3A_236, %swap3A_237], %add3A_235 {strides = array<i32>} : memref<256x64xf32, #tpu.memory_space<vmem>>, vector<16xf32>,
        %sub3A_239 = arith.subf %get3A_166, %mul3A_187 : vector<16xf32>
        %mul3A_240 = arith.mulf %sub3A_239, %mul3A_218 : vector<16xf32>
        %mul3A_241 = arith.mulf %mul3A_240, %get3A_9 : vector<16xf32>
        %add3A_242 = arith.addf %mul3A_241, %get3A_17 : vector<16xf32>
        %swap3A_243 = arith.index_cast %add3A_154 : i32 to index
        %swap3A_244 = arith.constant 48 : index
        %swap3A_245 = tpu.vector_load %arg12[%swap3A_243, %swap3A_244] {strides = array<i32>} : memref<256x64xf32, #tpu.memory_space<vmem>>, vector<16xf32>,
        tpu.vector_store %arg12[%swap3A_243, %swap3A_244], %add3A_242 {strides = array<i32>} : memref<256x64xf32, #tpu.memory_space<vmem>>, vector<16xf32>,
        %add3A_246 = arith.constant 1 : i32
        %add3A_247 = arith.addi %mul3A_152, %add3A_246 : i32
        %get3A_248 = arith.index_cast %add3A_247 : i32 to index
        %get3A_249 = arith.constant 0 : index
        %get3A_250 = tpu.vector_load %arg10[%get3A_248, %get3A_249] {strides = array<i32>} : memref<256x64xf32, #tpu.memory_space<vmem>>, vector<16xf32>,
        %get3A_251 = arith.index_cast %add3A_247 : i32 to index
        %get3A_252 = arith.constant 16 : index
        %get3A_253 = tpu.vector_load %arg10[%get3A_251, %get3A_252] {strides = array<i32>} : memref<256x64xf32, #tpu.memory_space<vmem>>, vector<16xf32>,
        %get3A_254 = arith.index_cast %add3A_247 : i32 to index
        %get3A_255 = arith.constant 32 : index
        %get3A_256 = tpu.vector_load %arg10[%get3A_254, %get3A_255] {strides = array<i32>} : memref<256x64xf32, #tpu.memory_space<vmem>>, vector<16xf32>,
        %get3A_257 = arith.index_cast %add3A_247 : i32 to index
        %get3A_258 = arith.constant 48 : index
        %get3A_259 = tpu.vector_load %arg10[%get3A_257, %get3A_258] {strides = array<i32>} : memref<256x64xf32, #tpu.memory_space<vmem>>, vector<16xf32>,
        %add3A_260 = arith.addf %get3A_250, %get3A_253 : vector<16xf32>
        %add3A_261 = arith.addf %add3A_260, %get3A_256 : vector<16xf32>
        %add3A_262 = arith.addf %add3A_261, %get3A_259 : vector<16xf32>
        %reduce_sum3A_263 = arith.constant true
        %reduce_sum3A_264 = vector.broadcast %reduce_sum3A_263 : i1 to vector<16xi1>
        %reduce_sum3A_265 = tpu.scan <sum>, %add3A_262 masked %reduce_sum3A_264 : vector<16xf32>, vector<16xi1> -> vector<16xf32>
        %reduce_sum3A_266 = vector.extract %reduce_sum3A_265[15] : f32 from vector<16xf32>
        %mul3A_267 = arith.mulf %get3A_250, %get3A_250 : vector<16xf32>
        %mul3A_268 = arith.mulf %get3A_253, %get3A_253 : vector<16xf32>
        %add3A_269 = arith.addf %mul3A_267, %mul3A_268 : vector<16xf32>
        %mul3A_270 = arith.mulf %get3A_256, %get3A_256 : vector<16xf32>
        %add3A_271 = arith.addf %add3A_269, %mul3A_270 : vector<16xf32>
        %mul3A_272 = arith.mulf %get3A_259, %get3A_259 : vector<16xf32>
        %add3A_273 = arith.addf %add3A_271, %mul3A_272 : vector<16xf32>
        %reduce_sum3A_274 = arith.constant true
        %reduce_sum3A_275 = vector.broadcast %reduce_sum3A_274 : i1 to vector<16xi1>
        %reduce_sum3A_276 = tpu.scan <sum>, %add3A_273 masked %reduce_sum3A_275 : vector<16xf32>, vector<16xi1> -> vector<16xf32>
        %reduce_sum3A_277 = vector.extract %reduce_sum3A_276[15] : f32 from vector<16xf32>
        %broadcast_in_dim3A_278 = vector.broadcast %reduce_sum3A_266 : f32 to vector<16xf32>
        %broadcast_in_dim3A_279 = vector.broadcast %reduce_sum3A_277 : f32 to vector<16xf32>
        %mul3A_280 = arith.constant 1.562500e-02 : f32
        %mul3A_281 = vector.broadcast %mul3A_280 : f32 to vector<16xf32>
        %mul3A_282 = arith.mulf %broadcast_in_dim3A_278, %mul3A_281 : vector<16xf32>
        %mul3A_283 = arith.constant 1.562500e-02 : f32
        %mul3A_284 = vector.broadcast %mul3A_283 : f32 to vector<16xf32>
        %mul3A_285 = arith.mulf %broadcast_in_dim3A_279, %mul3A_284 : vector<16xf32>
        %mul3A_286 = arith.mulf %mul3A_282, %mul3A_282 : vector<16xf32>
        %sub3A_287 = arith.subf %mul3A_285, %mul3A_286 : vector<16xf32>
        %add3A_288 = arith.constant 9.99999996E-13 : f32
        %add3A_289 = vector.broadcast %add3A_288 : f32 to vector<16xf32>
        %add3A_290 = arith.addf %sub3A_287, %add3A_289 : vector<16xf32>
        %bitcast_convert_type3A_291 = tpu.bitcast %add3A_290 : vector<16xf32> -> vector<16xi32>
        %shift_right_arithmetic3A_292 = arith.constant 1 : i32
        %shift_right_arithmetic3A_293 = vector.broadcast %shift_right_arithmetic3A_292 : i32 to vector<16xi32>
        %shift_right_arithmetic3A_294 = arith.shrsi %bitcast_convert_type3A_291, %shift_right_arithmetic3A_293 : vector<16xi32>
        %sub3A_295 = arith.constant 1597463007 : i32
        %sub3A_296 = vector.broadcast %sub3A_295 : i32 to vector<16xi32>
        %sub3A_297 = arith.subi %sub3A_296, %shift_right_arithmetic3A_294 : vector<16xi32>
        %bitcast_convert_type3A_298 = tpu.bitcast %sub3A_297 : vector<16xi32> -> vector<16xf32>
        %mul3A_299 = arith.constant 5.000000e-01 : f32
        %mul3A_300 = vector.broadcast %mul3A_299 : f32 to vector<16xf32>
        %mul3A_301 = arith.mulf %mul3A_300, %add3A_290 : vector<16xf32>
        %mul3A_302 = arith.mulf %mul3A_301, %bitcast_convert_type3A_298 : vector<16xf32>
        %mul3A_303 = arith.mulf %mul3A_302, %bitcast_convert_type3A_298 : vector<16xf32>
        %sub3A_304 = arith.constant 1.500000e+00 : f32
        %sub3A_305 = vector.broadcast %sub3A_304 : f32 to vector<16xf32>
        %sub3A_306 = arith.subf %sub3A_305, %mul3A_303 : vector<16xf32>
        %mul3A_307 = arith.mulf %bitcast_convert_type3A_298, %sub3A_306 : vector<16xf32>
        %mul3A_308 = arith.constant 5.000000e-01 : f32
        %mul3A_309 = vector.broadcast %mul3A_308 : f32 to vector<16xf32>
        %mul3A_310 = arith.mulf %mul3A_309, %add3A_290 : vector<16xf32>
        %mul3A_311 = arith.mulf %mul3A_310, %mul3A_307 : vector<16xf32>
        %mul3A_312 = arith.mulf %mul3A_311, %mul3A_307 : vector<16xf32>
        %sub3A_313 = arith.constant 1.500000e+00 : f32
        %sub3A_314 = vector.broadcast %sub3A_313 : f32 to vector<16xf32>
        %sub3A_315 = arith.subf %sub3A_314, %mul3A_312 : vector<16xf32>
        %mul3A_316 = arith.mulf %mul3A_307, %sub3A_315 : vector<16xf32>
        %sub3A_317 = arith.subf %get3A_250, %mul3A_282 : vector<16xf32>
        %mul3A_318 = arith.mulf %sub3A_317, %mul3A_316 : vector<16xf32>
        %mul3A_319 = arith.mulf %mul3A_318, %get3A_3 : vector<16xf32>
        %add3A_320 = arith.addf %mul3A_319, %get3A_11 : vector<16xf32>
        %swap3A_321 = arith.index_cast %add3A_247 : i32 to index
        %swap3A_322 = arith.constant 0 : index
        %swap3A_323 = tpu.vector_load %arg12[%swap3A_321, %swap3A_322] {strides = array<i32>} : memref<256x64xf32, #tpu.memory_space<vmem>>, vector<16xf32>,
        tpu.vector_store %arg12[%swap3A_321, %swap3A_322], %add3A_320 {strides = array<i32>} : memref<256x64xf32, #tpu.memory_space<vmem>>, vector<16xf32>,
        %sub3A_324 = arith.subf %get3A_253, %mul3A_282 : vector<16xf32>
        %mul3A_325 = arith.mulf %sub3A_324, %mul3A_316 : vector<16xf32>
        %mul3A_326 = arith.mulf %mul3A_325, %get3A_5 : vector<16xf32>
        %add3A_327 = arith.addf %mul3A_326, %get3A_13 : vector<16xf32>
        %swap3A_328 = arith.index_cast %add3A_247 : i32 to index
        %swap3A_329 = arith.constant 16 : index
        %swap3A_330 = tpu.vector_load %arg12[%swap3A_328, %swap3A_329] {strides = array<i32>} : memref<256x64xf32, #tpu.memory_space<vmem>>, vector<16xf32>,
        tpu.vector_store %arg12[%swap3A_328, %swap3A_329], %add3A_327 {strides = array<i32>} : memref<256x64xf32, #tpu.memory_space<vmem>>, vector<16xf32>,
        %sub3A_331 = arith.subf %get3A_256, %mul3A_282 : vector<16xf32>
        %mul3A_332 = arith.mulf %sub3A_331, %mul3A_316 : vector<16xf32>
        %mul3A_333 = arith.mulf %mul3A_332, %get3A_7 : vector<16xf32>
        %add3A_334 = arith.addf %mul3A_333, %get3A_15 : vector<16xf32>
        %swap3A_335 = arith.index_cast %add3A_247 : i32 to index
        %swap3A_336 = arith.constant 32 : index
        %swap3A_337 = tpu.vector_load %arg12[%swap3A_335, %swap3A_336] {strides = array<i32>} : memref<256x64xf32, #tpu.memory_space<vmem>>, vector<16xf32>,
        tpu.vector_store %arg12[%swap3A_335, %swap3A_336], %add3A_334 {strides = array<i32>} : memref<256x64xf32, #tpu.memory_space<vmem>>, vector<16xf32>,
        %sub3A_338 = arith.subf %get3A_259, %mul3A_282 : vector<16xf32>
        %mul3A_339 = arith.mulf %sub3A_338, %mul3A_316 : vector<16xf32>
        %mul3A_340 = arith.mulf %mul3A_339, %get3A_9 : vector<16xf32>
        %add3A_341 = arith.addf %mul3A_340, %get3A_17 : vector<16xf32>
        %swap3A_342 = arith.index_cast %add3A_247 : i32 to index
        %swap3A_343 = arith.constant 48 : index
        %swap3A_344 = tpu.vector_load %arg12[%swap3A_342, %swap3A_343] {strides = array<i32>} : memref<256x64xf32, #tpu.memory_space<vmem>>, vector<16xf32>,
        tpu.vector_store %arg12[%swap3A_342, %swap3A_343], %add3A_341 {strides = array<i32>} : memref<256x64xf32, #tpu.memory_space<vmem>>, vector<16xf32>,
        %add3A_345 = arith.constant 2 : i32
        %add3A_346 = arith.addi %mul3A_152, %add3A_345 : i32
        %get3A_347 = arith.index_cast %add3A_346 : i32 to index
        %get3A_348 = arith.constant 0 : index
        %get3A_349 = tpu.vector_load %arg10[%get3A_347, %get3A_348] {strides = array<i32>} : memref<256x64xf32, #tpu.memory_space<vmem>>, vector<16xf32>,
        %get3A_350 = arith.index_cast %add3A_346 : i32 to index
        %get3A_351 = arith.constant 16 : index
        %get3A_352 = tpu.vector_load %arg10[%get3A_350, %get3A_351] {strides = array<i32>} : memref<256x64xf32, #tpu.memory_space<vmem>>, vector<16xf32>,
        %get3A_353 = arith.index_cast %add3A_346 : i32 to index
        %get3A_354 = arith.constant 32 : index
        %get3A_355 = tpu.vector_load %arg10[%get3A_353, %get3A_354] {strides = array<i32>} : memref<256x64xf32, #tpu.memory_space<vmem>>, vector<16xf32>,
        %get3A_356 = arith.index_cast %add3A_346 : i32 to index
        %get3A_357 = arith.constant 48 : index
        %get3A_358 = tpu.vector_load %arg10[%get3A_356, %get3A_357] {strides = array<i32>} : memref<256x64xf32, #tpu.memory_space<vmem>>, vector<16xf32>,
        %add3A_359 = arith.addf %get3A_349, %get3A_352 : vector<16xf32>
        %add3A_360 = arith.addf %add3A_359, %get3A_355 : vector<16xf32>
        %add3A_361 = arith.addf %add3A_360, %get3A_358 : vector<16xf32>
        %reduce_sum3A_362 = arith.constant true
        %reduce_sum3A_363 = vector.broadcast %reduce_sum3A_362 : i1 to vector<16xi1>
        %reduce_sum3A_364 = tpu.scan <sum>, %add3A_361 masked %reduce_sum3A_363 : vector<16xf32>, vector<16xi1> -> vector<16xf32>
        %reduce_sum3A_365 = vector.extract %reduce_sum3A_364[15] : f32 from vector<16xf32>
        %mul3A_366 = arith.mulf %get3A_349, %get3A_349 : vector<16xf32>
        %mul3A_367 = arith.mulf %get3A_352, %get3A_352 : vector<16xf32>
        %add3A_368 = arith.addf %mul3A_366, %mul3A_367 : vector<16xf32>
        %mul3A_369 = arith.mulf %get3A_355, %get3A_355 : vector<16xf32>
        %add3A_370 = arith.addf %add3A_368, %mul3A_369 : vector<16xf32>
        %mul3A_371 = arith.mulf %get3A_358, %get3A_358 : vector<16xf32>
        %add3A_372 = arith.addf %add3A_370, %mul3A_371 : vector<16xf32>
        %reduce_sum3A_373 = arith.constant true
        %reduce_sum3A_374 = vector.broadcast %reduce_sum3A_373 : i1 to vector<16xi1>
        %reduce_sum3A_375 = tpu.scan <sum>, %add3A_372 masked %reduce_sum3A_374 : vector<16xf32>, vector<16xi1> -> vector<16xf32>
        %reduce_sum3A_376 = vector.extract %reduce_sum3A_375[15] : f32 from vector<16xf32>
        %broadcast_in_dim3A_377 = vector.broadcast %reduce_sum3A_365 : f32 to vector<16xf32>
        %broadcast_in_dim3A_378 = vector.broadcast %reduce_sum3A_376 : f32 to vector<16xf32>
        %mul3A_379 = arith.constant 1.562500e-02 : f32
        %mul3A_380 = vector.broadcast %mul3A_379 : f32 to vector<16xf32>
        %mul3A_381 = arith.mulf %broadcast_in_dim3A_377, %mul3A_380 : vector<16xf32>
        %mul3A_382 = arith.constant 1.562500e-02 : f32
        %mul3A_383 = vector.broadcast %mul3A_382 : f32 to vector<16xf32>
        %mul3A_384 = arith.mulf %broadcast_in_dim3A_378, %mul3A_383 : vector<16xf32>
        %mul3A_385 = arith.mulf %mul3A_381, %mul3A_381 : vector<16xf32>
        %sub3A_386 = arith.subf %mul3A_384, %mul3A_385 : vector<16xf32>
        %add3A_387 = arith.constant 9.99999996E-13 : f32
        %add3A_388 = vector.broadcast %add3A_387 : f32 to vector<16xf32>
        %add3A_389 = arith.addf %sub3A_386, %add3A_388 : vector<16xf32>
        %bitcast_convert_type3A_390 = tpu.bitcast %add3A_389 : vector<16xf32> -> vector<16xi32>
        %shift_right_arithmetic3A_391 = arith.constant 1 : i32
        %shift_right_arithmetic3A_392 = vector.broadcast %shift_right_arithmetic3A_391 : i32 to vector<16xi32>
        %shift_right_arithmetic3A_393 = arith.shrsi %bitcast_convert_type3A_390, %shift_right_arithmetic3A_392 : vector<16xi32>
        %sub3A_394 = arith.constant 1597463007 : i32
        %sub3A_395 = vector.broadcast %sub3A_394 : i32 to vector<16xi32>
        %sub3A_396 = arith.subi %sub3A_395, %shift_right_arithmetic3A_393 : vector<16xi32>
        %bitcast_convert_type3A_397 = tpu.bitcast %sub3A_396 : vector<16xi32> -> vector<16xf32>
        %mul3A_398 = arith.constant 5.000000e-01 : f32
        %mul3A_399 = vector.broadcast %mul3A_398 : f32 to vector<16xf32>
        %mul3A_400 = arith.mulf %mul3A_399, %add3A_389 : vector<16xf32>
        %mul3A_401 = arith.mulf %mul3A_400, %bitcast_convert_type3A_397 : vector<16xf32>
        %mul3A_402 = arith.mulf %mul3A_401, %bitcast_convert_type3A_397 : vector<16xf32>
        %sub3A_403 = arith.constant 1.500000e+00 : f32
        %sub3A_404 = vector.broadcast %sub3A_403 : f32 to vector<16xf32>
        %sub3A_405 = arith.subf %sub3A_404, %mul3A_402 : vector<16xf32>
        %mul3A_406 = arith.mulf %bitcast_convert_type3A_397, %sub3A_405 : vector<16xf32>
        %mul3A_407 = arith.constant 5.000000e-01 : f32
        %mul3A_408 = vector.broadcast %mul3A_407 : f32 to vector<16xf32>
        %mul3A_409 = arith.mulf %mul3A_408, %add3A_389 : vector<16xf32>
        %mul3A_410 = arith.mulf %mul3A_409, %mul3A_406 : vector<16xf32>
        %mul3A_411 = arith.mulf %mul3A_410, %mul3A_406 : vector<16xf32>
        %sub3A_412 = arith.constant 1.500000e+00 : f32
        %sub3A_413 = vector.broadcast %sub3A_412 : f32 to vector<16xf32>
        %sub3A_414 = arith.subf %sub3A_413, %mul3A_411 : vector<16xf32>
        %mul3A_415 = arith.mulf %mul3A_406, %sub3A_414 : vector<16xf32>
        %sub3A_416 = arith.subf %get3A_349, %mul3A_381 : vector<16xf32>
        %mul3A_417 = arith.mulf %sub3A_416, %mul3A_415 : vector<16xf32>
        %mul3A_418 = arith.mulf %mul3A_417, %get3A_3 : vector<16xf32>
        %add3A_419 = arith.addf %mul3A_418, %get3A_11 : vector<16xf32>
        %swap3A_420 = arith.index_cast %add3A_346 : i32 to index
        %swap3A_421 = arith.constant 0 : index
        %swap3A_422 = tpu.vector_load %arg12[%swap3A_420, %swap3A_421] {strides = array<i32>} : memref<256x64xf32, #tpu.memory_space<vmem>>, vector<16xf32>,
        tpu.vector_store %arg12[%swap3A_420, %swap3A_421], %add3A_419 {strides = array<i32>} : memref<256x64xf32, #tpu.memory_space<vmem>>, vector<16xf32>,
        %sub3A_423 = arith.subf %get3A_352, %mul3A_381 : vector<16xf32>
        %mul3A_424 = arith.mulf %sub3A_423, %mul3A_415 : vector<16xf32>
        %mul3A_425 = arith.mulf %mul3A_424, %get3A_5 : vector<16xf32>
        %add3A_426 = arith.addf %mul3A_425, %get3A_13 : vector<16xf32>
        %swap3A_427 = arith.index_cast %add3A_346 : i32 to index
        %swap3A_428 = arith.constant 16 : index
        %swap3A_429 = tpu.vector_load %arg12[%swap3A_427, %swap3A_428] {strides = array<i32>} : memref<256x64xf32, #tpu.memory_space<vmem>>, vector<16xf32>,
        tpu.vector_store %arg12[%swap3A_427, %swap3A_428], %add3A_426 {strides = array<i32>} : memref<256x64xf32, #tpu.memory_space<vmem>>, vector<16xf32>,
        %sub3A_430 = arith.subf %get3A_355, %mul3A_381 : vector<16xf32>
        %mul3A_431 = arith.mulf %sub3A_430, %mul3A_415 : vector<16xf32>
        %mul3A_432 = arith.mulf %mul3A_431, %get3A_7 : vector<16xf32>
        %add3A_433 = arith.addf %mul3A_432, %get3A_15 : vector<16xf32>
        %swap3A_434 = arith.index_cast %add3A_346 : i32 to index
        %swap3A_435 = arith.constant 32 : index
        %swap3A_436 = tpu.vector_load %arg12[%swap3A_434, %swap3A_435] {strides = array<i32>} : memref<256x64xf32, #tpu.memory_space<vmem>>, vector<16xf32>,
        tpu.vector_store %arg12[%swap3A_434, %swap3A_435], %add3A_433 {strides = array<i32>} : memref<256x64xf32, #tpu.memory_space<vmem>>, vector<16xf32>,
        %sub3A_437 = arith.subf %get3A_358, %mul3A_381 : vector<16xf32>
        %mul3A_438 = arith.mulf %sub3A_437, %mul3A_415 : vector<16xf32>
        %mul3A_439 = arith.mulf %mul3A_438, %get3A_9 : vector<16xf32>
        %add3A_440 = arith.addf %mul3A_439, %get3A_17 : vector<16xf32>
        %swap3A_441 = arith.index_cast %add3A_346 : i32 to index
        %swap3A_442 = arith.constant 48 : index
        %swap3A_443 = tpu.vector_load %arg12[%swap3A_441, %swap3A_442] {strides = array<i32>} : memref<256x64xf32, #tpu.memory_space<vmem>>, vector<16xf32>,
        tpu.vector_store %arg12[%swap3A_441, %swap3A_442], %add3A_440 {strides = array<i32>} : memref<256x64xf32, #tpu.memory_space<vmem>>, vector<16xf32>,
        %add3A_444 = arith.constant 3 : i32
        %add3A_445 = arith.addi %mul3A_152, %add3A_444 : i32
        %get3A_446 = arith.index_cast %add3A_445 : i32 to index
        %get3A_447 = arith.constant 0 : index
        %get3A_448 = tpu.vector_load %arg10[%get3A_446, %get3A_447] {strides = array<i32>} : memref<256x64xf32, #tpu.memory_space<vmem>>, vector<16xf32>,
        %get3A_449 = arith.index_cast %add3A_445 : i32 to index
        %get3A_450 = arith.constant 16 : index
        %get3A_451 = tpu.vector_load %arg10[%get3A_449, %get3A_450] {strides = array<i32>} : memref<256x64xf32, #tpu.memory_space<vmem>>, vector<16xf32>,
        %get3A_452 = arith.index_cast %add3A_445 : i32 to index
        %get3A_453 = arith.constant 32 : index
        %get3A_454 = tpu.vector_load %arg10[%get3A_452, %get3A_453] {strides = array<i32>} : memref<256x64xf32, #tpu.memory_space<vmem>>, vector<16xf32>,
        %get3A_455 = arith.index_cast %add3A_445 : i32 to index
        %get3A_456 = arith.constant 48 : index
        %get3A_457 = tpu.vector_load %arg10[%get3A_455, %get3A_456] {strides = array<i32>} : memref<256x64xf32, #tpu.memory_space<vmem>>, vector<16xf32>,
        %add3A_458 = arith.addf %get3A_448, %get3A_451 : vector<16xf32>
        %add3A_459 = arith.addf %add3A_458, %get3A_454 : vector<16xf32>
        %add3A_460 = arith.addf %add3A_459, %get3A_457 : vector<16xf32>
        %reduce_sum3A_461 = arith.constant true
        %reduce_sum3A_462 = vector.broadcast %reduce_sum3A_461 : i1 to vector<16xi1>
        %reduce_sum3A_463 = tpu.scan <sum>, %add3A_460 masked %reduce_sum3A_462 : vector<16xf32>, vector<16xi1> -> vector<16xf32>
        %reduce_sum3A_464 = vector.extract %reduce_sum3A_463[15] : f32 from vector<16xf32>
        %mul3A_465 = arith.mulf %get3A_448, %get3A_448 : vector<16xf32>
        %mul3A_466 = arith.mulf %get3A_451, %get3A_451 : vector<16xf32>
        %add3A_467 = arith.addf %mul3A_465, %mul3A_466 : vector<16xf32>
        %mul3A_468 = arith.mulf %get3A_454, %get3A_454 : vector<16xf32>
        %add3A_469 = arith.addf %add3A_467, %mul3A_468 : vector<16xf32>
        %mul3A_470 = arith.mulf %get3A_457, %get3A_457 : vector<16xf32>
        %add3A_471 = arith.addf %add3A_469, %mul3A_470 : vector<16xf32>
        %reduce_sum3A_472 = arith.constant true
        %reduce_sum3A_473 = vector.broadcast %reduce_sum3A_472 : i1 to vector<16xi1>
        %reduce_sum3A_474 = tpu.scan <sum>, %add3A_471 masked %reduce_sum3A_473 : vector<16xf32>, vector<16xi1> -> vector<16xf32>
        %reduce_sum3A_475 = vector.extract %reduce_sum3A_474[15] : f32 from vector<16xf32>
        %broadcast_in_dim3A_476 = vector.broadcast %reduce_sum3A_464 : f32 to vector<16xf32>
        %broadcast_in_dim3A_477 = vector.broadcast %reduce_sum3A_475 : f32 to vector<16xf32>
        %mul3A_478 = arith.constant 1.562500e-02 : f32
        %mul3A_479 = vector.broadcast %mul3A_478 : f32 to vector<16xf32>
        %mul3A_480 = arith.mulf %broadcast_in_dim3A_476, %mul3A_479 : vector<16xf32>
        %mul3A_481 = arith.constant 1.562500e-02 : f32
        %mul3A_482 = vector.broadcast %mul3A_481 : f32 to vector<16xf32>
        %mul3A_483 = arith.mulf %broadcast_in_dim3A_477, %mul3A_482 : vector<16xf32>
        %mul3A_484 = arith.mulf %mul3A_480, %mul3A_480 : vector<16xf32>
        %sub3A_485 = arith.subf %mul3A_483, %mul3A_484 : vector<16xf32>
        %add3A_486 = arith.constant 9.99999996E-13 : f32
        %add3A_487 = vector.broadcast %add3A_486 : f32 to vector<16xf32>
        %add3A_488 = arith.addf %sub3A_485, %add3A_487 : vector<16xf32>
        %bitcast_convert_type3A_489 = tpu.bitcast %add3A_488 : vector<16xf32> -> vector<16xi32>
        %shift_right_arithmetic3A_490 = arith.constant 1 : i32
        %shift_right_arithmetic3A_491 = vector.broadcast %shift_right_arithmetic3A_490 : i32 to vector<16xi32>
        %shift_right_arithmetic3A_492 = arith.shrsi %bitcast_convert_type3A_489, %shift_right_arithmetic3A_491 : vector<16xi32>
        %sub3A_493 = arith.constant 1597463007 : i32
        %sub3A_494 = vector.broadcast %sub3A_493 : i32 to vector<16xi32>
        %sub3A_495 = arith.subi %sub3A_494, %shift_right_arithmetic3A_492 : vector<16xi32>
        %bitcast_convert_type3A_496 = tpu.bitcast %sub3A_495 : vector<16xi32> -> vector<16xf32>
        %mul3A_497 = arith.constant 5.000000e-01 : f32
        %mul3A_498 = vector.broadcast %mul3A_497 : f32 to vector<16xf32>
        %mul3A_499 = arith.mulf %mul3A_498, %add3A_488 : vector<16xf32>
        %mul3A_500 = arith.mulf %mul3A_499, %bitcast_convert_type3A_496 : vector<16xf32>
        %mul3A_501 = arith.mulf %mul3A_500, %bitcast_convert_type3A_496 : vector<16xf32>
        %sub3A_502 = arith.constant 1.500000e+00 : f32
        %sub3A_503 = vector.broadcast %sub3A_502 : f32 to vector<16xf32>
        %sub3A_504 = arith.subf %sub3A_503, %mul3A_501 : vector<16xf32>
        %mul3A_505 = arith.mulf %bitcast_convert_type3A_496, %sub3A_504 : vector<16xf32>
        %mul3A_506 = arith.constant 5.000000e-01 : f32
        %mul3A_507 = vector.broadcast %mul3A_506 : f32 to vector<16xf32>
        %mul3A_508 = arith.mulf %mul3A_507, %add3A_488 : vector<16xf32>
        %mul3A_509 = arith.mulf %mul3A_508, %mul3A_505 : vector<16xf32>
        %mul3A_510 = arith.mulf %mul3A_509, %mul3A_505 : vector<16xf32>
        %sub3A_511 = arith.constant 1.500000e+00 : f32
        %sub3A_512 = vector.broadcast %sub3A_511 : f32 to vector<16xf32>
        %sub3A_513 = arith.subf %sub3A_512, %mul3A_510 : vector<16xf32>
        %mul3A_514 = arith.mulf %mul3A_505, %sub3A_513 : vector<16xf32>
        %sub3A_515 = arith.subf %get3A_448, %mul3A_480 : vector<16xf32>
        %mul3A_516 = arith.mulf %sub3A_515, %mul3A_514 : vector<16xf32>
        %mul3A_517 = arith.mulf %mul3A_516, %get3A_3 : vector<16xf32>
        %add3A_518 = arith.addf %mul3A_517, %get3A_11 : vector<16xf32>
        %swap3A_519 = arith.index_cast %add3A_445 : i32 to index
        %swap3A_520 = arith.constant 0 : index
        %swap3A_521 = tpu.vector_load %arg12[%swap3A_519, %swap3A_520] {strides = array<i32>} : memref<256x64xf32, #tpu.memory_space<vmem>>, vector<16xf32>,
        tpu.vector_store %arg12[%swap3A_519, %swap3A_520], %add3A_518 {strides = array<i32>} : memref<256x64xf32, #tpu.memory_space<vmem>>, vector<16xf32>,
        %sub3A_522 = arith.subf %get3A_451, %mul3A_480 : vector<16xf32>
        %mul3A_523 = arith.mulf %sub3A_522, %mul3A_514 : vector<16xf32>
        %mul3A_524 = arith.mulf %mul3A_523, %get3A_5 : vector<16xf32>
        %add3A_525 = arith.addf %mul3A_524, %get3A_13 : vector<16xf32>
        %swap3A_526 = arith.index_cast %add3A_445 : i32 to index
        %swap3A_527 = arith.constant 16 : index
        %swap3A_528 = tpu.vector_load %arg12[%swap3A_526, %swap3A_527] {strides = array<i32>} : memref<256x64xf32, #tpu.memory_space<vmem>>, vector<16xf32>,
        tpu.vector_store %arg12[%swap3A_526, %swap3A_527], %add3A_525 {strides = array<i32>} : memref<256x64xf32, #tpu.memory_space<vmem>>, vector<16xf32>,
        %sub3A_529 = arith.subf %get3A_454, %mul3A_480 : vector<16xf32>
        %mul3A_530 = arith.mulf %sub3A_529, %mul3A_514 : vector<16xf32>
        %mul3A_531 = arith.mulf %mul3A_530, %get3A_7 : vector<16xf32>
        %add3A_532 = arith.addf %mul3A_531, %get3A_15 : vector<16xf32>
        %swap3A_533 = arith.index_cast %add3A_445 : i32 to index
        %swap3A_534 = arith.constant 32 : index
        %swap3A_535 = tpu.vector_load %arg12[%swap3A_533, %swap3A_534] {strides = array<i32>} : memref<256x64xf32, #tpu.memory_space<vmem>>, vector<16xf32>,
        tpu.vector_store %arg12[%swap3A_533, %swap3A_534], %add3A_532 {strides = array<i32>} : memref<256x64xf32, #tpu.memory_space<vmem>>, vector<16xf32>,
        %sub3A_536 = arith.subf %get3A_457, %mul3A_480 : vector<16xf32>
        %mul3A_537 = arith.mulf %sub3A_536, %mul3A_514 : vector<16xf32>
        %mul3A_538 = arith.mulf %mul3A_537, %get3A_9 : vector<16xf32>
        %add3A_539 = arith.addf %mul3A_538, %get3A_17 : vector<16xf32>
        %swap3A_540 = arith.index_cast %add3A_445 : i32 to index
        %swap3A_541 = arith.constant 48 : index
        %swap3A_542 = tpu.vector_load %arg12[%swap3A_540, %swap3A_541] {strides = array<i32>} : memref<256x64xf32, #tpu.memory_space<vmem>>, vector<16xf32>,
        tpu.vector_store %arg12[%swap3A_540, %swap3A_541], %add3A_539 {strides = array<i32>} : memref<256x64xf32, #tpu.memory_space<vmem>>, vector<16xf32>,
        %scan3A_543 = arith.constant 0 : i32
        scf.yield %scan3A_543 : i32
      }
      %scan3A_140 = arith.constant 64 : i32
      %mul3A_141 = arith.constant 256 : i32
      %mul3A_142 = arith.muli %add3A_57, %mul3A_141 : i32
      %add3A_143 = arith.addi %mul3A_2, %mul3A_142 : i32
      %dma_start3A_144 = arith.constant 0 : i32
      %dma_start3A_145 = tpu.memref_slice %arg6[%add3A_143, %dma_start3A_144] : memref<819200x64xf32, #tpu.memory_space<hbm>> -> memref<256x64xf32, #tpu.memory_space<hbm>>
      %dma_start3A_146 = arith.constant 0 : i32
      %dma_start3A_147 = tpu.memref_slice %arg6[%add3A_143, %dma_start3A_146] : memref<819200x64xf32, #tpu.memory_space<hbm>> -> memref<256x64xf32, #tpu.memory_space<hbm>>
      tpu.enqueue_dma source(%arg12 : memref<256x64xf32, #tpu.memory_space<vmem>>) target(%dma_start3A_147 : memref<256x64xf32, #tpu.memory_space<hbm>>) target_semaphore(%arg18 : memref<!tpu.dma_semaphore, #tpu.memory_space<semaphore_mem>>)
      %scan3A_148 = arith.constant 0 : i32
      scf.yield %scan3A_148 : i32
    }
    %scan3A_40 = arith.constant 50 : i32
    %add3A_41 = arith.constant 25088 : i32
    %add3A_42 = arith.addi %mul3A_2, %add3A_41 : i32
    %dma_wait3A = arith.constant 0 : i32
    %dma_wait3A_43 = tpu.memref_slice %arg6[%add3A_42, %dma_wait3A] : memref<819200x64xf32, #tpu.memory_space<hbm>> -> memref<256x64xf32, #tpu.memory_space<hbm>>
    %dma_wait3A_44 = arith.constant 0 : i32
    %dma_wait3A_45 = tpu.memref_slice %arg6[%add3A_42, %dma_wait3A_44] : memref<819200x64xf32, #tpu.memory_space<hbm>> -> memref<256x64xf32, #tpu.memory_space<hbm>>
    tpu.wait_dma2 semaphore(%arg17 : memref<!tpu.dma_semaphore, #tpu.memory_space<semaphore_mem>>) src(%arg11 : memref<256x64xf32, #tpu.memory_space<vmem>>) dst(%dma_wait3A_45 : memref<256x64xf32, #tpu.memory_space<hbm>>)
    %add3A_46 = arith.constant 25344 : i32
    %add3A_47 = arith.addi %mul3A_2, %add3A_46 : i32
    %dma_wait3A_48 = arith.constant 0 : i32
    %dma_wait3A_49 = tpu.memref_slice %arg6[%add3A_47, %dma_wait3A_48] : memref<819200x64xf32, #tpu.memory_space<hbm>> -> memref<256x64xf32, #tpu.memory_space<hbm>>
    %dma_wait3A_50 = arith.constant 0 : i32
    %dma_wait3A_51 = tpu.memref_slice %arg6[%add3A_47, %dma_wait3A_50] : memref<819200x64xf32, #tpu.memory_space<hbm>> -> memref<256x64xf32, #tpu.memory_space<hbm>>
    tpu.wait_dma2 semaphore(%arg18 : memref<!tpu.dma_semaphore, #tpu.memory_space<semaphore_mem>>) src(%arg12 : memref<256x64xf32, #tpu.memory_space<vmem>>) dst(%dma_wait3A_51 : memref<256x64xf32, #tpu.memory_space<hbm>>)
    return
  }
}

</mosaic_0001>

<sc_bundles>
// kernel: kernel.3.cloned.1.call-start
scs
__scs_entry_jumppad:
0x0: {  	(pc) =	sbr.rel $0x88, $3  }
0x1: {  	(tag) =	ssettag $0x0;
	lr =	simm.s32 $0x1  }
0x2: {  	[smem:$0x3F9D] =	sst lr;
	_ =	strace $0xD0000000  }
0x3: {  	_ = 	snop  }
0x4: {  	_ = 	snop  }
0x5: {  	_ = 	snop  }
0x6: {  	_ = 	snop  }
0x7: {  	_ = 	snop  }
__scs_overlays_trampoline_lowered:
0x8: {  	[smem:$0x3FAC] =	sst s0  }
0x9: {  	[smem:$0x3FAD] =	sst s1  }
0xa: {  	[smem:$0x3FAE] =	sst s2  }
0xb: {  	[smem:$0x3FAF] =	sst s3  }
0xc: {  	[smem:$0x3FB0] =	sst s4  }
0xd: {  	[smem:$0x3FB1] =	sst s5  }
0xe: {  	[smem:$0x3FB2] =	sst s6  }
0xf: {  	[smem:$0x3FB3] =	sst s7  }
0x10: {  	[smem:$0x3FB4] =	sst s8  }
0x11: {  	[smem:$0x3FB5] =	sst s9;
	s0 =	simm.s32 @!p0 $0x0  }
0x12: {  	s1 =	sld [smem:$0x3F9B];
	s0 =	simm.s32 @p0 $0x1  }
0x13: {  	[smem:$0x3FB6] =	sst s0;
	s0 =	simm.s32 @!p1 $0x0  }
0x14: {  	s2 =	sld [smem:$0x3F9A];
	s0 =	simm.s32 @p1 $0x1  }
0x15: {  	[smem:$0x3FB7] =	sst s0;
	s0 =	simm.s32 @!p2 $0x0  }
0x16: {  	s3 =	sld [smem:$0x3FDB];
	s0 =	simm.s32 @p2 $0x1  }
0x17: {  	s4 =	simm.s32 $0x1BF5;
	[smem:$0x3FB9] =	sst s0  }
0x18: {  	s0 =	sld [smem:$0x3F9C];
	_ =	swait.ge [sflag:s4], $0x0  }
0x19: {  	s7 =	sld [smem:$0x3F9D]  }
0x1a: {  	s8 =	sadd.s32 $0xFFFFE003, lr  }
0x1b: {  	s9 =	sadd.s32 $0xFFFFFEF7, lr;
	s5 =	simm.s32 $0xFFFFFFFF;
	p2 =	slt.u32 s8, $0xFFFFF086  }
0x1c: {  	p1 =	slt.u32 s9, $0xF7A;
	s5 =	simm.s32 @!p2 $0x0  }
0x1d: {  	s5 =	simm.s32 @p1 $0x1;
	p0 =	seq.s32 s7, s2  }
0x1e: {  	s7 =	smul.u32 @!p0 $0xF7A, s2;
	p2 =	seq.s32 @!p0 s5, $0x0  }
0x1f: {  	s9 =	smul.u32 $0xF7A, s1;
	s8 =	simm.s32 @!p0 $0x1BF5;
	p2 =	por !p2, p0  }
0x20: {  	[sflag:s8] =	ssyncset.s32 @!p0 $0xFFFFF086;
	s6 =	sadd.s32 @!p0 s3, s7;
	s7 =	simm.s32 @!p0 $0x108  }
0x21: {  	s3 =	sadd.s32 s3, s9;
	s6 =	sadd.s32 @!p0 $0x88, s6;
	s7 =	simm.s32 @p2 $0x1082  }
0x22: {  	[simem:s7], [sflag:s8] =	dma.local @!p0 [hbm:s6], $0xF7A  }
0x23: {  	s9 =	sor.u32 $0xD0000000, s2;
	s6 =	simm.s32 $0x108;
	_ =	swait.ge @!p0 [sflag:s8], $0x0  }
0x24: {  	s3 =	sadd.s32 $0x88, s3;
	s6 =	simm.s32 @!p1 $0x1082;
	[sflag:s4] =	ssyncset.s32 $0xFFFFF086  }
0x25: {  	[simem:s6], [sflag:s4] =	dma.local [hbm:s3], $0xF7A  }
0x26: {  	[smem:$0x3F9D] =	sst s1;
	(tag) =	ssettag s2;
	_ =	strace s9  }
0x27: {  	s1 =	sld [smem:$0x3FAD]  }
0x28: {  	s2 =	sld [smem:$0x3FAE]  }
0x29: {  	s4 =	sld [smem:$0x3FB0]  }
0x2a: {  	p0 =	seq.s32 s5, $0x0;
	s5 =	sld [smem:$0x3FB1]  }
0x2b: {  	s6 =	sld [smem:$0x3FB2]  }
0x2c: {  	s7 =	sld [smem:$0x3FB3]  }
0x2d: {  	s3 =	simm.s32 $0x108;
	s8 =	sld [smem:$0x3FB4]  }
0x2e: {  	s3 =	simm.s32 @!p0 $0x1082;
	s9 =	sld [smem:$0x3FB5]  }
0x2f: {  	lr =	sadd.s32 s0, s3;
	s0 =	sld [smem:$0x3FAC]  }
0x30: {  	s3 =	sld [smem:$0x3FAF]  }
0x31: {  	[smem:$0x3FB8] =	sst s10  }
0x32: {  	s10 =	sld [smem:$0x3FB6];
	_ =	sdelay $0x3  }
0x33: {  	p0 =	seq.s32 s10, $0x1;
	s10 =	sld [smem:$0x3FB8];
	_ =	sdelay $0x3  }
0x34: {  	[smem:$0x3FB8] =	sst s10  }
0x35: {  	s10 =	sld [smem:$0x3FB7];
	_ =	sdelay $0x3  }
0x36: {  	p1 =	seq.s32 s10, $0x1;
	s10 =	sld [smem:$0x3FB8];
	_ =	sdelay $0x3  }
0x37: {  	[smem:$0x3FB8] =	sst s10  }
0x38: {  	s10 =	sld [smem:$0x3FB9]  }
0x39: {  	_ = 	snop;
	(pc) =	sbr.ind lr, $3  }
0x3a: {  	_ = 	snop  }
0x3b: {  	_ = 	snop  }
0x3c: {  	p2 =	seq.s32 s10, $0x1;
	s10 =	sld [smem:$0x3FB8]  }
0x3d: {  	_ =	shalt  }
0x3e: {  	_ =	shalt  }
0x3f: {  	_ =	shalt  }
0x40: {  	_ =	shalt  }
0x41: {  	_ =	shalt  }
0x42: {  	_ =	shalt  }
0x43: {  	_ =	shalt  }
0x44: {  	_ =	shalt  }
0x45: {  	_ =	shalt  }
0x46: {  	_ =	shalt  }
0x47: {  	_ =	shalt  }
0x48: {  	_ =	shalt  }
0x49: {  	_ =	shalt  }
0x4a: {  	_ =	shalt  }
0x4b: {  	_ =	shalt  }
0x4c: {  	_ =	shalt  }
0x4d: {  	_ =	shalt  }
0x4e: {  	_ =	shalt  }
0x4f: {  	_ =	shalt  }
0x50: {  	_ =	shalt  }
0x51: {  	_ =	shalt  }
0x52: {  	_ =	shalt  }
0x53: {  	_ =	shalt  }
0x54: {  	_ =	shalt  }
0x55: {  	_ =	shalt  }
0x56: {  	_ =	shalt  }
0x57: {  	_ =	shalt  }
0x58: {  	_ =	shalt  }
0x59: {  	_ =	shalt  }
0x5a: {  	_ =	shalt  }
0x5b: {  	_ =	shalt  }
0x5c: {  	_ =	shalt  }
0x5d: {  	_ =	shalt  }
0x5e: {  	_ =	shalt  }
0x5f: {  	_ =	shalt  }
0x60: {  	_ =	shalt  }
0x61: {  	_ =	shalt  }
0x62: {  	_ =	shalt  }
0x63: {  	_ =	shalt  }
0x64: {  	_ =	shalt  }
0x65: {  	_ =	shalt  }
0x66: {  	_ =	shalt  }
0x67: {  	_ =	shalt  }
0x68: {  	_ =	shalt  }
0x69: {  	_ =	shalt  }
0x6a: {  	_ =	shalt  }
0x6b: {  	_ =	shalt  }
0x6c: {  	_ =	shalt  }
0x6d: {  	_ =	shalt  }
0x6e: {  	_ =	shalt  }
0x6f: {  	_ =	shalt  }
0x70: {  	_ =	shalt  }
0x71: {  	_ =	shalt  }
0x72: {  	_ =	shalt  }
0x73: {  	_ =	shalt  }
0x74: {  	_ =	shalt  }
0x75: {  	_ =	shalt  }
0x76: {  	_ =	shalt  }
0x77: {  	_ =	shalt  }
0x78: {  	_ =	shalt  }
0x79: {  	_ =	shalt  }
0x7a: {  	_ =	shalt  }
0x7b: {  	_ =	shalt  }
0x7c: {  	_ =	shalt  }
0x7d: {  	_ =	shalt  }
0x7e: {  	_ =	shalt  }
0x7f: {  	_ =	shalt  }
0x80: {  	_ =	shalt  }
0x81: {  	_ =	shalt  }
0x82: {  	_ =	shalt  }
0x83: {  	_ =	shalt  }
0x84: {  	_ =	shalt  }
0x85: {  	_ =	shalt  }
0x86: {  	_ =	shalt  }
0x87: {  	_ =	shalt  }
.Lfunc_end0:
.L_simem_size_0:
called_computation.1_lowered:
.L_overlay_start_0:
0x88: {  	s2 =	sld [smem:$0x3FD9]  }
0x89: {  	s3 =	sld [smem:$0x3FFE];
	_ =	sdelay $0x1  }
0x8a: {  	s1 =	srdreg.scid  }
0x8b: {  	s0 =	sand.u32 $0x1, s1  }
0x8c: {  	s17 =	sshll.u32 s0, $0xA;
	s2 =	sadd.s32 s3, s2  }
0x8d: {  	s2 =	sadd.s32 s2, s17  }
0x8e: {  	[smem:$0x3FC4] =	sst s2  }
0x8f: {  	_ = 	snop  }
0x90: {  	s2 =	sld [smem:$0x3FC7]  }
0x91: {  	s18 =	sld [smem:$0x3FC6]  }
0x92: {  	s4 =	sld [smem:$0x3FD0];
	(tm) =	ssettm $0x1  }
0x93: {  	s5 =	sld [smem:$0x3FFB];
	_ =	sdelay $0x3  }
0x94: {  	_ =	strace s5  }
0x95: {  	s5 =	sld [smem:$0x3FFC];
	_ =	sdelay $0x3  }
0x96: {  	_ =	strace s5  }
0x97: {  	s5 =	sld [smem:$0x3FFD];
	_ =	sdelay $0x3  }
0x98: {  	_ =	strace s5  }
0x99: {  	_ =	strace $0x8FFFFFFF  }
0x9a: {  	s19 =	sld [smem:$0x3FDB];
	_ =	sdelay $0x1  }
0x9b: {  	s6 =	simm.s32 $_scs_section_size  }
0x9c: {  	s7 =	simm.s32 $_size__tile_overlayer_lowered;
	s8 =	simm.s32 $_tile_overlayer_lowered  }
0x9d: {  	s22 =	simm.s32 $0x1BFF;
	s21 =	sshll.u32 s8, $0x1;
	s5 =	sadd.s32 s6, s19  }
0x9e: {  	s9 =	simm.s32 $0x0;
	s20 =	sshll.u32 s7, $0x1;
	s7 =	sadd.s32 s21, s5  }
0x9f: {  	[timem:s9], [sflag:s22] =	dma.local [hbm:s7], s20  }
0xa0: {  	_ =	swait.ge [sflag:s22], s20  }
0xa1: {  	s6 =	ssub.s32 $0x0, s20;
	[sflag:s22] =	ssyncset.done $0x0  }
0xa2: {  	[sflag:s22] =	ssyncadd.s32 s6;
	_ =	sdelay $0x1  }
0xa3: {  	s23 =	simm.s32 $0x1B8B  }
0xa4: {  	_ =	swait.ge [sflag:s23], $0x1  }
0xa5: {  	[sflag:s23] =	ssyncset.done $0x0  }
0xa6: {  	s25 =	simm.s32 $0x1B8E;
	s24 =	sld [smem:$0x3FFE];
	[sflag:s23] =	ssyncadd.s32 $0xFFFFFFFF  }
0xa7: {  	s26 =	simm.s32 $execute0_lowered;
	[smem:$0x3FD2] =	sst s25  }
0xa8: {  	s7 =	sshll.u32 s26, $0x1;
	_ =	strace $0x80000046;
	[dreg:$0x1] =	wrdreg $0xFFFFFFFF  }
0xa9: {  	s28 =	simm.s32 $_size_execute0_lowered;
	s5 =	sadd.s32 s5, s7;
	[dreg:$0x0] =	wrdreg $0x0  }
0xaa: {  	s7 =	sshll.u32 s28, $0x1;
	[dreg:$0x2] =	wrdreg s5  }
0xab: {  	[dreg:$0x3] =	wrdreg s7  }
0xac: {  	[dreg:$0x4] =	wrdreg $0xC0  }
0xad: {  	_ =	task [dreg:s9], $0x5FFFF  }
0xae: {  	[dreg:$0x1] =	wrdreg $0xFFFFFFFF  }
0xaf: {  	[dreg:$0x0] =	wrdreg $0x60  }
0xb0: {  	[dreg:$0x2] =	wrdreg s24  }
0xb1: {  	[dreg:$0x3] =	wrdreg s2  }
0xb2: {  	[dreg:$0x4] =	wrdreg s18  }
0xb3: {  	[dreg:$0x5] =	wrdreg s4  }
0xb4: {  	[dreg:$0x6] =	wrdreg $0x9  }
0xb5: {  	_ =	task.clear_ibuf [dreg:s9], $0x7FFFF;
	_ =	strace $0x90000046  }
0xb6: {  	s29 =	simm.s32 $0x9;
	_ =	strace $0x80000048  }
0xb7: {  	_ =	swait.ge [sflag:s29], $0x1  }
0xb8: {  	[sflag:s29] =	ssyncadd.s32 $0xFFFFFFFF  }
0xb9: {  	_ =	strace $0x90000048  }
0xba: {  	_ =	sfence  }
0xbb: {  	s30 =	sld [smem:$0x0];
	_ =	sdelay $0x2  }
0xbc: {  	s31 =	sshll.u32 s1, $0xD;
	s1 =	sshrl.u32 s1, $0x2  }
0xbd: {  	s3 =	sand.u32 $0x4000, s31;
	s1 =	sadd.s32 s1, s30  }
0xbe: {  	s0 =	sor.u32 s3, s0;
	s1 =	sshll.u32 s1, $0x11  }
0xbf: {  	s0 =	sor.u32 s1, s0  }
0xc0: {  	s0 =	sadd.s32 $0x8F2B, s0  }
0xc1: {  	[sflag:s0] =	ssyncadd.remote.s32 $0x1  }
0xc2: {  	_ =	sfence.sel $0xFFFF  }
0xc3: {  	[dreg:$0x0] =	wrdreg $0xFFFFFFFF;
	(pc) =	sbr.abs _section_cstart, $3  }
0xc4: {  	[dreg:$0x1] =	wrdreg $0xFFFFFFFF  }
0xc5: {  	_ =	task.clear_ibuf [dreg:s9], $0x2FFFF;
	_ =	strace $0x9FFFFFFF  }
0xc6: {  	(tm) =	ssettm $0x7FFFFFFF  }
0xc7: {  	_ =	shalt  }
tec
execute0_lowered:
.L_overlay_start_1:
0x0: {  	(tag) =	ssettag $0x1  }
0x1: {  	s0 =	rddreg [dreg:$0x0]  }
0x2: {  	s1 =	srdreg.scid;
	s2 =	stileid.u32  }
0x3: {  	s4 =	rddreg [dreg:$0x3];
	s5 =	simm.s32 $0x0;
	s14 =	simm.s32 $0x5  }
0x4: {  	s16 =	simm.s32 $0x80;
	s17 =	simm.s32 $0x200;
	s18 =	simm.s32 $0x2200  }
0x5: {  	s19 =	simm.s32 $0x100;
	s20 =	simm.s32 $0x4200;
	s21 =	simm.s32 $0x180  }
0x6: {  	s22 =	simm.s32 $0x6200;
	s23 =	simm.s32 $0x1;
	s24 =	simm.s32 $0x8200  }
0x7: {  	s25 =	simm.s32 $0x2;
	s28 =	simm.s32 $0x3;
	s29 =	simm.s32 $0x4  }
0x8: {  	s30 =	simm.s32 $0x0;
	s1 =	sand.u32 $0x1, s1;
	s2 =	sshll.u32 s2, $0x1  }
0x9: {  	[smem:$0x7FF] =	sst s5;
	s7 =	sadd.s32 $0xA00, s0;
	s2 =	sor.u32 s1, s2  }
0xa: {  	s8 =	sadd.s32 $0xF42E00, s0;
	s1 =	ssub.s32 $0x2, s1;
	s6 =	smul.u32 $0x6400, s2  }
0xb: {  	_ =	strace $0x80000047;
	s3 =	sshrl.u32 s1, $0x1;
	s10 =	smul.u32 $0x190000, s2  }
0xc: {  	s26 =	ssub.s32 s1, s3;
	s31 =	sshrl.u32 s6, $0x3;
	s11 =	sor.u32 $0x200, s6  }
0xd: {  	s12 =	smax.u32 s26, $0x1;
	s26 =	simm.s32 $0xC200;
	s9 =	sadd.s32 s7, s31  }
.LBB2_1:
0xe: {  	s0 =	rddreg [dreg:$0x1];
	s1 =	simm.s32 $0x10200  }
0xf: {  	[tilespmem:s1], [sflag:$0x5] =	stream.linear.gather [hbm4b:s0+s5], $0x40, $0x38;
	[tilespmem:$0x10280] =	vst v63  }
0x10: {  	_ =	swait.ge [sflag:s14], $0x40  }
0x11: {  	[sflag:s14] =	ssyncset.done $0x0  }
0x12: {  	[sflag:s14] =	ssyncadd.s32 $0xFFFFFFC0  }
0x13: {  	s15 =	simm.s32 $0x10240;
	s13 =	rddreg [dreg:$0x2]  }
0x14: {  	[tilespmem:s15], [sflag:$0x5] =	stream.linear.gather [hbm4b:s13+s5], $0x40, $0x38;
	[tilespmem:$0x10280] =	vst v63  }
0x15: {  	_ =	swait.ge [sflag:s14], $0x40  }
0x16: {  	[sflag:s14] =	ssyncset.done $0x0  }
0x17: {  	[sflag:s14] =	ssyncadd.s32 $0xFFFFFFC0  }
0x18: {  	v0 =	vld [tilespmem:$0x10200]  }
0x19: {  	v1 =	vld [tilespmem:$0x10210]  }
0x1a: {  	v2 =	vld [tilespmem:$0x10220]  }
0x1b: {  	v3 =	vld [tilespmem:$0x10230]  }
0x1c: {  	v4 =	vld [tilespmem:$0x10240]  }
0x1d: {  	v5 =	vld [tilespmem:$0x10250]  }
0x1e: {  	v6 =	vld [tilespmem:$0x10260]  }
0x1f: {  	v7 =	vld [tilespmem:$0x10270];
	[tilespmem:s5], [sflag:$0x5] =	stream.linear.gather [hbm4b:s9+s5], $0x100, $0x38  }
0x20: {  	_ =	swait.ge [sflag:s14], $0x100  }
0x21: {  	[sflag:s14] =	ssyncset.done $0x0  }
0x22: {  	[sflag:s14] =	ssyncadd.s32 $0xFFFFFF00  }
0x23: {  	[tilespmem:s17], [sflag:$0x1] =	stream.indirect.gather [hbm4b:s8+s16], $0x40, s5, s16, $0xb8;
	[tilespmem:$0x10280] =	vst v63  }
0x24: {  	s31 =	simm.s32 $0x0  }
0x25: {  	[tilespmem:s18], [sflag:$0x1] =	stream.indirect.gather [hbm4b:s8+s16], $0x40, s16, s16, $0xb8;
	[tilespmem:$0x10280] =	vst v63  }
.LBB2_2:
0x26: {  	s0 =	sshll.u32 s31, $0x9  }
0x27: {  	s1 =	sadd.s32 s0, s6  }
0x28: {  	s2 =	sadd.s32 $0x100, s1  }
0x29: {  	s1 =	sshrl.u32 s2, $0x3  }
0x2a: {  	s1 =	sadd.s32 s7, s1  }
0x2b: {  	[tilespmem:s19], [sflag:$0x5] =	stream.linear.gather [hbm4b:s1+s5], $0x100, $0x38;
	[tilespmem:$0x10280] =	vst v63  }
0x2c: {  	_ =	swait.ge [sflag:s14], $0x100  }
0x2d: {  	[sflag:s14] =	ssyncset.done $0x0  }
0x2e: {  	[sflag:s14] =	ssyncadd.s32 $0xFFFFFF00  }
0x2f: {  	[tilespmem:s20], [sflag:$0x2] =	stream.indirect.gather [hbm4b:s8+s16], $0x40, s19, s16, $0xb8;
	[tilespmem:$0x10280] =	vst v63  }
0x30: {  	_ = 	snop  }
0x31: {  	[tilespmem:s22], [sflag:$0x2] =	stream.indirect.gather [hbm4b:s8+s16], $0x40, s21, s16, $0xb8;
	[tilespmem:$0x10280] =	vst v63  }
0x32: {  	_ =	swait.ge [sflag:s23], $0x2000  }
0x33: {  	[sflag:s23] =	ssyncset.done $0x0  }
0x34: {  	[sflag:s23] =	ssyncadd.s32 $0xFFFFE000  }
0x35: {  	_ =	swait.ge [sflag:s23], $0x2000  }
0x36: {  	p0 =	seq.s32 s31, $0x0;
	[sflag:s23] =	ssyncset.done $0x0  }
0x37: {  	s1 =	simm.s32 @!p0 $0x3;
	[sflag:s23] =	ssyncadd.s32 $0xFFFFE000  }
0x38: {  	_ =	swait.ge @!p0 [sflag:s1], $0x4000  }
0x39: {  	[sflag:s1] =	ssyncset.done @!p0 $0x0  }
0x3a: {  	[sflag:s1] =	ssyncadd.s32 @!p0 $0xFFFFC000;
	s1 =	simm.s32 $0x0  }
0x3b: {  	v17 =	vld [tilespmem:s1+$0x2C0]  }
0x3c: {  	v9 =	vld [tilespmem:s1+$0x2D0];
	_ =	sdelay $0x1  }
0x3d: {  	v8 =	vld [tilespmem:s1+$0x2E0];
	_ =	sdelay $0x1  }
0x3e: {  	v20 =	vld [tilespmem:s1+$0x2F0]  }
0x3f: {  	v10 =	vadd.f32 v9, v17;
	v11 =	vmul.f32 v17, v17;
	v12 =	vmul.f32 v9, v9;
	_ =	sdelay $0x1  }
0x40: {  	v10 =	vadd.f32 v8, v10;
	v11 =	vadd.f32 v12, v11;
	v12 =	vmul.f32 v8, v8;
	_ =	sdelay $0x1  }
0x41: {  	v14 =	vld [tilespmem:s1+$0x200];
	v10 =	vadd.f32 v20, v10;
	v11 =	vadd.f32 v12, v11;
	v12 =	vmul.f32 v20, v20  }
0x42: {  	v16 =	vld [tilespmem:s1+$0x210]  }
0x43: {  	v19 =	vld [tilespmem:s1+$0x240];
	(xrf2) =	vadd.scan.msk.f32 $0xffff, v10;
	v10 =	vadd.f32 v12, v11  }
0x44: {  	v21 =	vld [tilespmem:s1+$0x250]  }
0x45: {  	v15 =	vld [tilespmem:s1+$0x280];
	(xrf2) =	vadd.scan.msk.f32 $0xffff, v10  }
0x46: {  	v22 =	vld [tilespmem:s1+$0x220]  }
0x47: {  	v24 =	vld [tilespmem:s1+$0x230]  }
0x48: {  	v12 =	vld [tilespmem:s1+$0x290]  }
0x49: {  	v23 =	vld [tilespmem:s1+$0x260];
	v25 =	vadd.f32 v16, v14;
	v26 =	vmul.f32 v19, v19  }
0x4a: {  	v13 =	vld [tilespmem:s1+$0x2A0];
	v11 =	vmul.f32 v16, v16;
	v10 =	vmul.f32 v14, v14  }
0x4b: {  	v27 =	vld [tilespmem:s1+$0x270];
	v28 =	vmul.f32 v21, v21;
	v29 =	vmul.f32 v22, v22;
	v25 =	vadd.f32 v22, v25  }
0x4c: {  	v18 =	vld [tilespmem:s1+$0x2B0];
	v30 =	vmul.f32 v15, v15;
	v10 =	vadd.f32 v11, v10;
	v11 =	vadd.f32 v21, v19  }
0x4d: {  	v48 =	vmul.f32 v24, v24;
	v26 =	vadd.f32 v28, v26;
	v31 =	vadd.f32 v12, v15;
	v32, _, _ =	vpop (xrf2)  }
0x4e: {  	v11 =	vadd.f32 v23, v11;
	v10 =	vadd.f32 v29, v10;
	v29 =	vmul.f32 $1.562500000e-02, v32  }
0x4f: {  	v28 =	vmul.f32 v23, v23;
	v25 =	vadd.f32 v24, v25;
	v31 =	vadd.f32 v13, v31;
	v33, _, _ =	vpop (xrf2)  }
0x50: {  	v11 =	vadd.f32 v27, v11;
	v33 =	vmul.f32 $1.562500000e-02, v33;
	v34 =	vmul.f32 v29, v29  }
0x51: {  	v26 =	vadd.f32 v28, v26;
	v31 =	vadd.f32 v18, v31;
	(xrf2) =	vadd.scan.msk.f32 $0xffff, v25;
	v25 =	vmul.f32 v12, v12  }
0x52: {  	v10 =	vadd.f32 v48, v10;
	(xrf2) =	vadd.scan.msk.f32 $0xffff, v11;
	v11 =	vsub.f32 v33, v34  }
0x53: {  	v28 =	vmul.f32 v27, v27;
	v25 =	vadd.f32 v25, v30;
	v30 =	vmul.f32 v13, v13;
	(xrf2) =	vadd.scan.msk.f32 $0xffff, v31  }
0x54: {  	(xrf2) =	vadd.scan.msk.f32 $0xffff, v10;
	v10 =	vadd.f32 $9.999999960e-13, v11  }
0x55: {  	v25 =	vadd.f32 v30, v25;
	v11 =	vadd.f32 v28, v26;
	v26 =	vmul.f32 v18, v18  }
0x56: {  	v10 =	vbroadcast v10, $0xF  }
0x57: {  	(xrf2) =	vadd.scan.msk.f32 $0xffff, v11;
	v11 =	vadd.f32 v26, v25  }
0x58: {  	v25 =	vshra.s32 v10, $0x1;
	v26 =	vmul.f32 $5.000000000e-01, v10  }
0x59: {  	v25 =	vsub.s32 $0x5F3759DF, v25  }
0x5a: {  	v10 =	vmul.f32 v25, v26  }
0x5b: {  	(xrf2) =	vadd.scan.msk.f32 $0xffff, v11;
	v11, _, _ =	vpop (xrf2)  }
0x5c: {  	v11 =	vmul.f32 $1.562500000e-02, v11;
	v10 =	vmul.f32 v25, v10;
	_ =	sdelay $0x1  }
0x5d: {  	v29 =	vbroadcast v29, $0xF;
	v28, _, _ =	vpop (xrf2);
	v50 =	vsub.f32 $1.500000000e+00, v10  }
0x5e: {  	v30, _, _ =	vpop (xrf2);
	v28 =	vmul.f32 $1.562500000e-02, v28;
	v31 =	vbroadcast v11, $0xF  }
0x5f: {  	v49 =	vmul.f32 v11, v11;
	v11, _, _ =	vpop (xrf2);
	v25 =	vmul.f32 v25, v50  }
0x60: {  	v52 =	vmul.f32 v28, v28;
	v51 =	vmul.f32 $1.562500000e-02, v11  }
0x61: {  	v10 =	vsub.f32 v16, v31;
	v11 =	vsub.f32 v14, v31;
	v14, _, _ =	vpop (xrf2);
	v26 =	vmul.f32 v25, v26  }
0x62: {  	v16 =	vsub.f32 v22, v31;
	v22 =	vmul.f32 $1.562500000e-02, v14;
	v32 =	vsub.f32 v51, v49  }
0x63: {  	v30 =	vmul.f32 $1.562500000e-02, v30;
	v14 =	vsub.f32 v24, v31;
	v26 =	vmul.f32 v26, v25  }
0x64: {  	v24 =	vbroadcast v28, $0xF;
	v53, _, _ =	vpop (xrf2);
	v22 =	vsub.f32 v22, v52;
	v28 =	vadd.f32 $9.999999960e-13, v32  }
0x65: {  	v31 =	vmul.f32 v30, v30;
	v32 =	vmul.f32 $1.562500000e-02, v53;
	v26 =	vsub.f32 $1.500000000e+00, v26  }
0x66: {  	v22 =	vadd.f32 $9.999999960e-13, v22;
	v28 =	vbroadcast v28, $0xF  }
0x67: {  	v20 =	vsub.f32 v20, v29;
	v31 =	vsub.f32 v32, v31;
	v25 =	vmul.f32 v26, v25  }
0x68: {  	v17 =	vsub.f32 v17, v29;
	v22 =	vbroadcast v22, $0xF;
	v54 =	vshra.s32 v28, $0x1  }
0x69: {  	v26 =	vmul.f32 $5.000000000e-01, v28;
	v28 =	vadd.f32 $9.999999960e-13, v31;
	v20 =	vmul.f32 v25, v20  }
0x6a: {  	v31 =	vsub.s32 $0x5F3759DF, v54;
	v55 =	vshra.s32 v22, $0x1;
	v22 =	vmul.f32 $5.000000000e-01, v22  }
0x6b: {  	v32 =	vsub.s32 $0x5F3759DF, v55;
	v56 =	vmul.f32 v31, v26;
	v20 =	vmul.f32 v20, v3  }
0x6c: {  	v37 =	vsub.f32 v9, v29;
	v34 =	vsub.f32 v23, v24;
	v23 =	vmul.f32 v32, v22  }
0x6d: {  	v28 =	vbroadcast v28, $0xF;
	v33 =	vmul.f32 v31, v56;
	v20 =	vadd.f32 v20, v7  }
0x6e: {  	v8 =	vsub.f32 v8, v29;
	v30 =	vbroadcast v30, $0xF;
	v23 =	vmul.f32 v32, v23  }
0x6f: {  	s3 =	simm.s32 $0x100;
	v35 =	vshra.s32 v28, $0x1;
	v28 =	vmul.f32 $5.000000000e-01, v28;
	v9 =	vsub.f32 $1.500000000e+00, v33;
	[tilespmem:s1+$0x82F0] =	vst v20  }
0x70: {  	v19 =	vsub.f32 v19, v24;
	v35 =	vsub.s32 $0x5F3759DF, v35;
	v57 =	vsub.f32 $1.500000000e+00, v23;
	v23 =	vld [tilespmem:s3+$0x2C0]  }
0x71: {  	v21 =	vsub.f32 v21, v24;
	v36 =	vmul.f32 v35, v28;
	v29 =	vmul.f32 v31, v9;
	v9 =	vld [tilespmem:s3+$0x2D0]  }
0x72: {  	v15 =	vsub.f32 v15, v30;
	v17 =	vmul.f32 v25, v17;
	v58 =	vmul.f32 v25, v37;
	v33 =	vld [tilespmem:s3+$0x200]  }
0x73: {  	v12 =	vsub.f32 v12, v30;
	v25 =	vmul.f32 v25, v8;
	v20 =	vmul.f32 v35, v36;
	v8 =	vld [tilespmem:s3+$0x2E0]  }
0x74: {  	v13 =	vsub.f32 v13, v30;
	v18 =	vsub.f32 v18, v30;
	v31 =	vmul.f32 v32, v57;
	v32 =	vld [tilespmem:s3+$0x240]  }
0x75: {  	v17 =	vmul.f32 v17, v0;
	v30 =	vmul.f32 v58, v1;
	v37 =	vld [tilespmem:s3+$0x250];
	v20 =	vsub.f32 $1.500000000e+00, v20  }
0x76: {  	v27 =	vsub.f32 v27, v24;
	v41 =	vld [tilespmem:s3+$0x280];
	v24 =	vmul.f32 v29, v26;
	v22 =	vmul.f32 v31, v22  }
0x77: {  	v25 =	vmul.f32 v25, v2;
	v42 =	vld [tilespmem:s3+$0x290];
	v20 =	vmul.f32 v35, v20  }
0x78: {  	v59 =	vmul.f32 v24, v29;
	v24 =	vld [tilespmem:s3+$0x2F0];
	v22 =	vmul.f32 v22, v31  }
0x79: {  	v44 =	vld [tilespmem:s3+$0x220];
	v60 =	vadd.f32 v9, v23;
	v38 =	vmul.f32 v23, v23;
	v39 =	vmul.f32 v9, v9  }
0x7a: {  	v25 =	vadd.f32 v25, v6;
	v46 =	vld [tilespmem:s3+$0x260];
	v28 =	vmul.f32 v20, v28;
	v40 =	vmul.f32 v33, v33  }
0x7b: {  	v26 =	vld [tilespmem:s3+$0x210];
	v61 =	vmul.f32 v8, v8;
	v36 =	vadd.f32 v8, v60;
	v38 =	vadd.f32 v39, v38  }
0x7c: {  	v35 =	vsub.f32 $1.500000000e+00, v59;
	v47 =	vmul.f32 v32, v32;
	v48 =	vmul.f32 v37, v37  }
0x7d: {  	v62 =	vmul.f32 v24, v24;
	v36 =	vadd.f32 v24, v36;
	v38 =	vadd.f32 v61, v38  }
0x7e: {  	v49 =	vld [tilespmem:s3+$0x2A0];
	v63 =	vadd.f32 v37, v32;
	v56 =	vmul.f32 v41, v41;
	v57 =	vadd.f32 v42, v41  }
0x7f: {  	v51 =	vmul.f32 v42, v42;
	v52 =	vmul.f32 v44, v44;
	(xrf2) =	vadd.scan.msk.f32 $0xffff, v36;
	v36 =	vld [tilespmem:s3+$0x230];
	v38 =	vadd.f32 v62, v38  }
0x80: {  	v59 =	vmul.f32 v46, v46;
	v22 =	vsub.f32 $1.500000000e+00, v22;
	v43 =	vadd.f32 v26, v33  }
0x81: {  	v50 =	vld [tilespmem:s3+$0x270];
	v45 =	vmul.f32 v26, v26;
	v28 =	vmul.f32 v28, v20;
	v47 =	vadd.f32 v48, v47;
	(xrf2) =	vadd.scan.msk.f32 $0xffff, v38  }
0x82: {  	v29 =	vmul.f32 v35, v29;
	v39 =	vadd.f32 v46, v63;
	v58 =	vadd.f32 v44, v43  }
0x83: {  	v60 =	vmul.f32 v49, v49;
	v40 =	vadd.f32 v45, v40;
	v45 =	vadd.f32 v51, v56  }
0x84: {  	v22 =	vmul.f32 v22, v31;
	v11 =	vmul.f32 v29, v11;
	v35 =	vadd.f32 v36, v58  }
0x85: {  	v31 =	vadd.f32 v49, v57;
	v10 =	vmul.f32 v29, v10;
	v16 =	vmul.f32 v29, v16  }
0x86: {  	v39 =	vadd.f32 v50, v39;
	v14 =	vmul.f32 v29, v14;
	v19 =	vmul.f32 v22, v19;
	v38 =	vld [tilespmem:s3+$0x2B0];
	(xrf2) =	vadd.scan.msk.f32 $0xffff, v35  }
0x87: {  	v28 =	vsub.f32 $1.500000000e+00, v28;
	v21 =	vmul.f32 v22, v21;
	v34 =	vmul.f32 v22, v34  }
0x88: {  	v57 =	vadd.f32 v17, v4;
	v22 =	vmul.f32 v22, v27;
	v62 =	vmul.f32 v50, v50;
	(xrf2) =	vadd.scan.msk.f32 $0xffff, v39  }
0x89: {  	v43 =	vadd.f32 v59, v47;
	v20 =	vmul.f32 v28, v20;
	v11 =	vmul.f32 v11, v0;
	v55, _, _ =	vpop (xrf2)  }
0x8a: {  	v40 =	vadd.f32 v52, v40;
	v61 =	vmul.f32 v36, v36;
	v39 =	vmul.f32 $1.562500000e-02, v55  }
0x8b: {  	v10 =	vmul.f32 v10, v1;
	v14 =	vmul.f32 v14, v3;
	v31 =	vadd.f32 v38, v31;
	v56, _, _ =	vpop (xrf2)  }
0x8c: {  	v28 =	vadd.f32 v61, v40;
	v17 =	vmul.f32 $1.562500000e-02, v56;
	v27 =	vmul.f32 v39, v39  }
0x8d: {  	v54 =	vadd.f32 v60, v45;
	v59 =	vmul.f32 v19, v0;
	v52 =	vmul.f32 v21, v1;
	(xrf2) =	vadd.scan.msk.f32 $0xffff, v31  }
0x8e: {  	v47 =	vmul.f32 v20, v18;
	v31 =	vmul.f32 v20, v12;
	(xrf2) =	vadd.scan.msk.f32 $0xffff, v28;
	v12 =	vsub.f32 v17, v27  }
0x8f: {  	v29 =	vadd.f32 v62, v43;
	v58 =	vmul.f32 v20, v13;
	v63 =	vmul.f32 v38, v38  }
0x90: {  	v40 =	vadd.f32 v30, v5;
	v30 =	vmul.f32 v20, v15;
	v12 =	vadd.f32 $9.999999960e-13, v12;
	v13, _, _ =	vpop (xrf2)  }
0x91: {  	v51 =	vadd.f32 v10, v5;
	v15 =	vmul.f32 v16, v2;
	v13 =	vmul.f32 $1.562500000e-02, v13  }
0x92: {  	v35 =	vadd.f32 v63, v54;
	v28 =	vadd.f32 v11, v4;
	(xrf2) =	vadd.scan.msk.f32 $0xffff, v29;
	v10, _, _ =	vpop (xrf2);
	v11 =	vbroadcast v12, $0xF  }
0x93: {  	v53 =	vadd.f32 v15, v6;
	v15 =	vmul.f32 $1.562500000e-02, v10;
	v16 =	vbroadcast v13, $0xF  }
0x94: {  	v19 =	vmul.f32 v13, v13;
	v13 =	vshra.s32 v11, $0x1;
	v29 =	vmul.f32 $5.000000000e-01, v11  }
0x95: {  	v30 =	vmul.f32 v30, v0;
	(xrf2) =	vadd.scan.msk.f32 $0xffff, v35;
	v61 =	vmul.f32 v15, v15;
	v60 =	vsub.s32 $0x5F3759DF, v13  }
0x96: {  	v12 =	vsub.f32 v33, v16;
	v10 =	vsub.f32 v26, v16;
	v17 =	vmul.f32 v60, v29  }
0x97: {  	v18, _, _ =	vpop (xrf2);
	v15 =	vbroadcast v15, $0xF;
	v11 =	vsub.f32 v44, v16;
	v13 =	vsub.f32 v36, v16  }
0x98: {  	v16 =	vmul.f32 $1.562500000e-02, v18;
	v44 =	vadd.f32 v14, v7;
	v14, _, _ =	vpop (xrf2);
	v18 =	vmul.f32 v60, v17  }
0x99: {  	v55 =	vbroadcast v39, $0xF;
	v14 =	vmul.f32 $1.562500000e-02, v14;
	v20 =	vsub.f32 v37, v15  }
0x9a: {  	v62 =	vbroadcast v16, $0xF;
	v63 =	vmul.f32 v16, v16;
	v16 =	vsub.f32 $1.500000000e+00, v18  }
0x9b: {  	v27 =	vmul.f32 v22, v3;
	v21 =	vsub.f32 v46, v15;
	v17 =	vsub.f32 v32, v15  }
0x9c: {  	v22 =	vsub.f32 v14, v19;
	v18 =	vsub.f32 v50, v15;
	v15, _, _ =	vpop (xrf2);
	v33 =	vmul.f32 v60, v16  }
0x9d: {  	v24 =	vsub.f32 v24, v55;
	v14 =	vsub.f32 v41, v62;
	v41 =	vmul.f32 $1.562500000e-02, v15  }
0x9e: {  	v23 =	vsub.f32 v23, v55;
	v22 =	vadd.f32 $9.999999960e-13, v22;
	v46 =	vmul.f32 v33, v29  }
0x9f: {  	v15 =	vsub.f32 v49, v62;
	v49, _, _ =	vpop (xrf2);
	v35 =	vsub.f32 v41, v61;
	v29 =	vmul.f32 v31, v1  }
0xa0: {  	v9 =	vsub.f32 v9, v55;
	v31 =	vmul.f32 $1.562500000e-02, v49;
	v32 =	vmul.f32 v46, v33  }
0xa1: {  	v50 =	vadd.f32 v59, v4;
	v54 =	vbroadcast v22, $0xF;
	v35 =	vadd.f32 $9.999999960e-13, v35  }
0xa2: {  	v26 =	vmul.f32 v34, v2;
	v34 =	vsub.f32 v31, v63;
	v32 =	vsub.f32 $1.500000000e+00, v32  }
0xa3: {  	v22 =	vmul.f32 v58, v2;
	v56 =	vshra.s32 v54, $0x1;
	v35 =	vbroadcast v35, $0xF  }
0xa4: {  	[tilespmem:s1+$0x82C0] =	vst v57;
	v59 =	vsub.s32 $0x5F3759DF, v56;
	v57 =	vadd.f32 $9.999999960e-13, v34;
	v58 =	vmul.f32 v32, v33  }
0xa5: {  	[tilespmem:s1+$0x82E0] =	vst v25;
	v31 =	vmul.f32 $5.000000000e-01, v54;
	v60 =	vshra.s32 v35, $0x1;
	v34 =	vmul.f32 $5.000000000e-01, v35  }
0xa6: {  	[tilespmem:s1+$0x8210] =	vst v51;
	v25 =	vsub.s32 $0x5F3759DF, v60;
	v61 =	vbroadcast v57, $0xF;
	v24 =	vmul.f32 v58, v24  }
0xa7: {  	[tilespmem:s1+$0x8200] =	vst v28;
	v19 =	vsub.f32 v42, v62;
	v28 =	vmul.f32 v59, v31;
	v35 =	vmul.f32 v25, v34  }
0xa8: {  	[tilespmem:s1+$0x82D0] =	vst v40;
	v36 =	vshra.s32 v61, $0x1;
	v33 =	vmul.f32 $5.000000000e-01, v61;
	v24 =	vmul.f32 v24, v3  }
0xa9: {  	[tilespmem:s1+$0x8220] =	vst v53;
	v28 =	vmul.f32 v59, v28;
	v35 =	vmul.f32 v25, v35;
	v36 =	vsub.s32 $0x5F3759DF, v36  }
0xaa: {  	[tilespmem:s1+$0x8230] =	vst v44;
	v16 =	vsub.f32 v38, v62;
	v62 =	vmul.f32 v36, v33;
	v24 =	vadd.f32 v24, v7  }
0xab: {  	[tilespmem:s1+$0x8240] =	vst v50;
	v28 =	vsub.f32 $1.500000000e+00, v28;
	v39 =	vmul.f32 v58, v23;
	v63 =	vsub.f32 $1.500000000e+00, v35  }
0xac: {  	s13 =	simm.s32 $0x200;
	v38 =	vsub.f32 v8, v55;
	v37 =	vmul.f32 v58, v9;
	v40 =	vmul.f32 v36, v62;
	[tilespmem:s3+$0x82F0] =	vst v24  }
0xad: {  	v23 =	vadd.f32 v52, v5;
	v35 =	vmul.f32 v59, v28;
	v32 =	vmul.f32 v25, v63;
	v9 =	vld [tilespmem:s13+$0x2C0]  }
0xae: {  	s15 =	simm.s32 $0xC00;
	v38 =	vmul.f32 v58, v38;
	v25 =	vmul.f32 v47, v3;
	v40 =	vsub.f32 $1.500000000e+00, v40;
	v8 =	vld [tilespmem:s13+$0x2D0]  }
.LBB2_3:
0xaf: {  	p1 =	sne.s32 s15, $0xFC00;
	v28 =	vld [tilespmem:s13+$0x200];
	v24 =	vmul.f32 v35, v31;
	v31 =	vmul.f32 v32, v34;
	[tilespmem:s1+$0x8250] =	vst v23;
	v34 =	vadd.f32 v26, v6  }
0xb0: {  	v39 =	vmul.f32 v39, v0;
	v27 =	vadd.f32 v27, v7;
	v23 =	vld [tilespmem:s13+$0x2E0];
	v40 =	vmul.f32 v36, v40  }
0xb1: {  	v30 =	vadd.f32 v30, v4;
	v26 =	vld [tilespmem:s13+$0x210];
	v36 =	vmul.f32 v24, v35;
	v41 =	vmul.f32 v31, v32;
	[tilespmem:s1+$0x8260] =	vst v34  }
0xb2: {  	v42 =	vmul.f32 v37, v1;
	v29 =	vadd.f32 v29, v5;
	v24 =	vld [tilespmem:s13+$0x2F0];
	v33 =	vmul.f32 v40, v33;
	[tilespmem:s1+$0x8270] =	vst v27  }
0xb3: {  	v38 =	vmul.f32 v38, v2;
	v27 =	vld [tilespmem:s13+$0x240];
	v34 =	vadd.f32 v8, v9;
	v36 =	vsub.f32 $1.500000000e+00, v36;
	[tilespmem:s1+$0x8280] =	vst v30  }
0xb4: {  	v37 =	vmul.f32 v9, v9;
	v43 =	vmul.f32 v8, v8;
	v41 =	vsub.f32 $1.500000000e+00, v41;
	v31 =	vld [tilespmem:s13+$0x250];
	[tilespmem:s1+$0x8290] =	vst v29  }
0xb5: {  	v44 =	vmul.f32 v28, v28;
	v33 =	vmul.f32 v33, v40;
	v29 =	vld [tilespmem:s13+$0x280];
	v34 =	vadd.f32 v23, v34  }
0xb6: {  	v43 =	vadd.f32 v43, v37;
	v46 =	vmul.f32 v23, v23;
	v45 =	vadd.f32 v26, v28;
	v30 =	vld [tilespmem:s13+$0x290]  }
0xb7: {  	v47 =	vmul.f32 v26, v26;
	v49 =	vsub.f32 $1.500000000e+00, v33;
	v37 =	vld [tilespmem:s13+$0x220];
	v48 =	vadd.f32 v24, v34  }
0xb8: {  	v43 =	vadd.f32 v46, v43;
	v46 =	vmul.f32 v24, v24;
	v34 =	vld [tilespmem:s13+$0x260];
	v50 =	vmul.f32 v27, v27  }
0xb9: {  	v44 =	vadd.f32 v47, v44;
	v47 =	vadd.f32 v31, v27;
	v51 =	vmul.f32 v31, v31;
	v33 =	vld [tilespmem:s13+$0x2A0];
	(xrf2) =	vadd.scan.msk.f32 $0xffff, v48  }
0xba: {  	v43 =	vadd.f32 v46, v43;
	v46 =	vmul.f32 v36, v35;
	v48 =	vld [tilespmem:s13+$0x230];
	v52 =	vmul.f32 v29, v29  }
0xbb: {  	v36 =	vld [tilespmem:s13+$0x270];
	v50 =	vadd.f32 v51, v50;
	v51 =	vadd.f32 v30, v29;
	v53 =	vmul.f32 v30, v30  }
0xbc: {  	v32 =	vmul.f32 v41, v32;
	v45 =	vadd.f32 v37, v45;
	v54 =	vmul.f32 v37, v37;
	v35 =	vld [tilespmem:s13+$0x2B0];
	(xrf2) =	vadd.scan.msk.f32 $0xffff, v43  }
0xbd: {  	v41 =	vadd.f32 v34, v47;
	v43 =	vmul.f32 v34, v34;
	v47 =	vadd.f32 v53, v52  }
0xbe: {  	v44 =	vadd.f32 v54, v44;
	v51 =	vadd.f32 v33, v51;
	v52 =	vmul.f32 v33, v33  }
0xbf: {  	v45 =	vadd.f32 v48, v45;
	v53 =	vmul.f32 v48, v48;
	v43 =	vadd.f32 v43, v50  }
0xc0: {  	v41 =	vadd.f32 v36, v41;
	v50 =	vmul.f32 v36, v36;
	v54 =	vadd.f32 v52, v47  }
0xc1: {  	v44 =	vadd.f32 v53, v44;
	v51 =	vadd.f32 v35, v51;
	v52 =	vmul.f32 v35, v35;
	(xrf2) =	vadd.scan.msk.f32 $0xffff, v45  }
0xc2: {  	v40 =	vmul.f32 v49, v40;
	v12 =	vmul.f32 v46, v12;
	v43 =	vadd.f32 v50, v43  }
0xc3: {  	v10 =	vmul.f32 v46, v10;
	v11 =	vmul.f32 v46, v11;
	v45 =	vadd.f32 v52, v54;
	v47, _, _ =	vpop (xrf2)  }
0xc4: {  	v22 =	vadd.f32 v22, v6;
	v17 =	vmul.f32 v32, v17;
	v13 =	vmul.f32 v46, v13;
	(xrf2) =	vadd.scan.msk.f32 $0xffff, v41  }
0xc5: {  	v25 =	vadd.f32 v25, v7;
	v20 =	vmul.f32 v32, v20;
	v41 =	vmul.f32 $1.562500000e-02, v47  }
0xc6: {  	v21 =	vmul.f32 v32, v21;
	v32 =	vmul.f32 v32, v18;
	v18 =	vadd.f32 v39, v4;
	v46, _, _ =	vpop (xrf2);
	[tilespmem:s1+$0x82A0] =	vst v22  }
0xc7: {  	v42 =	vadd.f32 v42, v5;
	v39 =	vmul.f32 v41, v41;
	v22 =	vmul.f32 $1.562500000e-02, v46;
	(xrf2) =	vadd.scan.msk.f32 $0xffff, v51  }
0xc8: {  	v47 =	vmul.f32 v40, v19;
	v46 =	vmul.f32 v40, v14;
	v14 =	vadd.f32 v38, v6;
	[tilespmem:s1+$0x82B0] =	vst v25;
	s1 =	smov.u32 s3;
	s3 =	smov.u32 s13  }
0xc9: {  	v25 =	vmul.f32 v40, v16;
	v19 =	vsub.f32 v22, v39;
	v22 =	vmul.f32 v40, v15;
	[tilespmem:s1+$0x82C0] =	vst v18  }
0xca: {  	v12 =	vmul.f32 v12, v0;
	v10 =	vmul.f32 v10, v1;
	(xrf2) =	vadd.scan.msk.f32 $0xffff, v44;
	[tilespmem:s1+$0x82D0] =	vst v42  }
0xcb: {  	v11 =	vmul.f32 v11, v2;
	v18 =	vmul.f32 v13, v3;
	v15 =	vadd.f32 $9.999999960e-13, v19;
	v16, _, _ =	vpop (xrf2);
	[tilespmem:s1+$0x82E0] =	vst v14  }
0xcc: {  	v12 =	vadd.f32 v12, v4;
	v38 =	vmul.f32 v17, v0;
	v19 =	vmul.f32 $1.562500000e-02, v16  }
0xcd: {  	v10 =	vadd.f32 v10, v5;
	v40 =	vmul.f32 v20, v1;
	v14 =	vbroadcast v15, $0xF;
	(xrf2) =	vadd.scan.msk.f32 $0xffff, v43  }
0xce: {  	v17 =	vadd.f32 v11, v6;
	v15 =	vbroadcast v19, $0xF;
	v16 =	vmul.f32 v19, v19;
	v13, _, _ =	vpop (xrf2);
	[tilespmem:s1+$0x8200] =	vst v12  }
0xcf: {  	v19 =	vmul.f32 $1.562500000e-02, v13;
	v11 =	vshra.s32 v14, $0x1;
	v39 =	vmul.f32 $5.000000000e-01, v14;
	[tilespmem:s1+$0x8210] =	vst v10  }
0xd0: {  	v12 =	vsub.f32 v28, v15;
	v10 =	vsub.f32 v26, v15;
	v28 =	vsub.s32 $0x5F3759DF, v11;
	(xrf2) =	vadd.scan.msk.f32 $0xffff, v45  }
0xd1: {  	v11 =	vsub.f32 v37, v15;
	v37 =	vmul.f32 v19, v19;
	v14 =	vmul.f32 v28, v39;
	v20, _, _ =	vpop (xrf2);
	[tilespmem:s1+$0x8220] =	vst v17  }
0xd2: {  	v13 =	vsub.f32 v48, v15;
	v15 =	vbroadcast v19, $0xF;
	v20 =	vmul.f32 $1.562500000e-02, v20  }
0xd3: {  	v18 =	vadd.f32 v18, v7;
	v26 =	vmul.f32 v21, v2;
	v14 =	vmul.f32 v28, v14  }
0xd4: {  	v17 =	vsub.f32 v27, v15;
	v42 =	vbroadcast v20, $0xF;
	v43 =	vmul.f32 v20, v20;
	v19, _, _ =	vpop (xrf2)  }
0xd5: {  	v20 =	vsub.f32 v31, v15;
	v19 =	vmul.f32 $1.562500000e-02, v19;
	v31 =	vsub.f32 $1.500000000e+00, v14;
	[tilespmem:s1+$0x8230] =	vst v18  }
0xd6: {  	v21 =	vsub.f32 v34, v15;
	v27 =	vmul.f32 v32, v3;
	v18 =	vsub.f32 v36, v15  }
0xd7: {  	v14 =	vsub.f32 v29, v42;
	v16 =	vsub.f32 v19, v16;
	v28 =	vmul.f32 v28, v31;
	v15, _, _ =	vpop (xrf2)  }
0xd8: {  	v19 =	vsub.f32 v30, v42;
	v29 =	vmul.f32 $1.562500000e-02, v15;
	v15 =	vsub.f32 v33, v42  }
0xd9: {  	v31 =	vadd.f32 $9.999999960e-13, v16;
	v16 =	vsub.f32 v35, v42;
	v32 =	vmul.f32 v28, v39  }
0xda: {  	v30 =	vmul.f32 v46, v0;
	v33 =	vsub.f32 v29, v37;
	v34, _, _ =	vpop (xrf2);
	v29 =	vmul.f32 v47, v1  }
0xdb: {  	v35 =	vadd.f32 v38, v4;
	v34 =	vmul.f32 $1.562500000e-02, v34;
	v32 =	vmul.f32 v32, v28  }
0xdc: {  	v22 =	vmul.f32 v22, v2;
	v31 =	vbroadcast v31, $0xF;
	v33 =	vadd.f32 $9.999999960e-13, v33  }
0xdd: {  	v38 =	vbroadcast v41, $0xF;
	v34 =	vsub.f32 v34, v43;
	v32 =	vsub.f32 $1.500000000e+00, v32;
	[tilespmem:s1+$0x8240] =	vst v35  }
0xde: {  	v35 =	vshra.s32 v31, $0x1;
	v31 =	vmul.f32 $5.000000000e-01, v31;
	v33 =	vbroadcast v33, $0xF  }
0xdf: {  	v24 =	vsub.f32 v24, v38;
	v36 =	vadd.f32 $9.999999960e-13, v34;
	v28 =	vmul.f32 v32, v28  }
0xe0: {  	v32 =	vsub.s32 $0x5F3759DF, v35;
	v35 =	vshra.s32 v33, $0x1;
	v34 =	vmul.f32 $5.000000000e-01, v33  }
0xe1: {  	v41 =	vsub.s32 $0x5F3759DF, v35;
	v33 =	vbroadcast v36, $0xF;
	v24 =	vmul.f32 v28, v24  }
0xe2: {  	v9 =	vsub.f32 v9, v38;
	v35 =	vmul.f32 v32, v31;
	v36 =	vmul.f32 v41, v34  }
0xe3: {  	v37 =	vshra.s32 v33, $0x1;
	v33 =	vmul.f32 $5.000000000e-01, v33;
	v24 =	vmul.f32 v24, v3  }
0xe4: {  	v35 =	vmul.f32 v32, v35;
	v39 =	vmul.f32 v41, v36;
	v36 =	vsub.s32 $0x5F3759DF, v37  }
.Ltmp0:
0xe5: {  	v8 =	vsub.f32 v8, v38;
	v37 =	vmul.f32 v36, v33;
	v24 =	vadd.f32 v24, v7;
	(pc) =	sbr.rel @p1 .LBB2_3-.Ltmp0, $4  }
0xe6: {  	v35 =	vsub.f32 $1.500000000e+00, v35;
	v42 =	vsub.f32 $1.500000000e+00, v39;
	v39 =	vmul.f32 v28, v9  }
0xe7: {  	s13 =	sshra.s32 s15, $0x2;
	v38 =	vsub.f32 v23, v38;
	v43 =	vmul.f32 v36, v37;
	v37 =	vmul.f32 v28, v8;
	[tilespmem:s3+$0x82F0] =	vst v24  }
0xe8: {  	v23 =	vadd.f32 v40, v5;
	v35 =	vmul.f32 v32, v35;
	v9 =	vld [tilespmem:s13+$0x2C0];
	v32 =	vmul.f32 v41, v42  }
0xe9: {  	s15 =	sadd.s32 $0x400, s15;
	v25 =	vmul.f32 v25, v3;
	v38 =	vmul.f32 v28, v38;
	v8 =	vld [tilespmem:s13+$0x2D0];
	v40 =	vsub.f32 $1.500000000e+00, v43  }
0xea: {  	v28 =	vld [tilespmem:s13+$0x200];
	[tilespmem:s1+$0x8250] =	vst v23;
	v24 =	vadd.f32 v26, v6  }
0xeb: {  	v26 =	vadd.f32 v27, v7;
	v27 =	vmul.f32 v35, v31;
	v31 =	vmul.f32 v32, v34;
	v23 =	vld [tilespmem:s13+$0x2E0]  }
0xec: {  	v30 =	vadd.f32 v30, v4;
	v41 =	vld [tilespmem:s13+$0x210];
	v34 =	vmul.f32 v36, v40;
	v36 =	vmul.f32 v39, v0;
	[tilespmem:s1+$0x8260] =	vst v24  }
0xed: {  	v29 =	vadd.f32 v29, v5;
	v24 =	vld [tilespmem:s13+$0x2F0];
	[tilespmem:s1+$0x8270] =	vst v26;
	v26 =	vmul.f32 v27, v35;
	v27 =	vmul.f32 v31, v32  }
0xee: {  	v22 =	vadd.f32 v22, v6;
	v31 =	vmul.f32 v37, v1;
	v57 =	vmul.f32 v9, v9  }
0xef: {  	v39 =	vld [tilespmem:s13+$0x240];
	[tilespmem:s1+$0x8280] =	vst v30;
	v30 =	vmul.f32 v34, v33;
	v56 =	vadd.f32 v8, v9;
	v42 =	vmul.f32 v8, v8  }
0xf0: {  	v33 =	vld [tilespmem:s13+$0x250];
	[tilespmem:s1+$0x8290] =	vst v29;
	v26 =	vsub.f32 $1.500000000e+00, v26;
	v29 =	vmul.f32 v38, v2;
	v58 =	vmul.f32 v28, v28  }
0xf1: {  	v27 =	vsub.f32 $1.500000000e+00, v27;
	v37 =	vadd.f32 v23, v56;
	v59 =	vmul.f32 v23, v23  }
0xf2: {  	v40 =	vadd.f32 v42, v57;
	v30 =	vmul.f32 v30, v34;
	v46 =	vmul.f32 v41, v41  }
0xf3: {  	v25 =	vadd.f32 v25, v7;
	v43 =	vld [tilespmem:s13+$0x280];
	v35 =	vmul.f32 v26, v35;
	v27 =	vmul.f32 v27, v32  }
0xf4: {  	v44 =	vld [tilespmem:s13+$0x290];
	v37 =	vadd.f32 v24, v37;
	v40 =	vadd.f32 v59, v40;
	v60 =	vmul.f32 v24, v24  }
0xf5: {  	v31 =	vadd.f32 v31, v5;
	v45 =	vld [tilespmem:s13+$0x220];
	v49 =	vmul.f32 v39, v39;
	v12 =	vmul.f32 v35, v12  }
0xf6: {  	v47 =	vld [tilespmem:s13+$0x260];
	v10 =	vmul.f32 v35, v10;
	v11 =	vmul.f32 v35, v11;
	(xrf2) =	vadd.scan.msk.f32 $0xffff, v37;
	v40 =	vadd.f32 v60, v40  }
0xf7: {  	v48 =	vadd.f32 v41, v28;
	v50 =	vld [tilespmem:s13+$0x2A0];
	v13 =	vmul.f32 v35, v13;
	v17 =	vmul.f32 v27, v17  }
0xf8: {  	v30 =	vsub.f32 $1.500000000e+00, v30;
	v20 =	vmul.f32 v27, v20;
	v21 =	vmul.f32 v27, v21;
	v37 =	vld [tilespmem:s13+$0x230];
	(xrf2) =	vadd.scan.msk.f32 $0xffff, v40  }
0xf9: {  	v52 =	vld [tilespmem:s13+$0x270];
	v38 =	vadd.f32 v46, v58;
	v18 =	vmul.f32 v27, v18;
	v61 =	vmul.f32 v33, v33  }
0xfa: {  	v62 =	vadd.f32 v33, v39;
	v51 =	vmul.f32 v43, v43;
	v53 =	vmul.f32 v44, v44  }
0xfb: {  	v26 =	vld [tilespmem:s13+$0x2B0];
	v30 =	vmul.f32 v30, v34;
	v63 =	vadd.f32 v44, v43;
	v54 =	vadd.f32 v45, v48  }
0xfc: {  	v58 =	vmul.f32 v50, v50;
	v56 =	vadd.f32 v47, v62;
	v51 =	vadd.f32 v53, v51  }
0xfd: {  	v55 =	vmul.f32 v45, v45;
	v46 =	vadd.f32 v61, v49;
	v40 =	vadd.f32 v37, v54  }
0xfe: {  	v57 =	vmul.f32 v47, v47;
	v32 =	vadd.f32 v52, v56;
	v48 =	vadd.f32 v58, v51  }
0xff: {  	v60 =	vmul.f32 v52, v52;
	v12 =	vmul.f32 v12, v0;
	v49 =	vadd.f32 v50, v63;
	(xrf2) =	vadd.scan.msk.f32 $0xffff, v40  }
0x100: {  	v61 =	vmul.f32 v26, v26;
	v38 =	vadd.f32 v55, v38;
	v42 =	vadd.f32 v57, v46;
	(xrf2) =	vadd.scan.msk.f32 $0xffff, v32;
	v63, _, _ =	vpop (xrf2)  }
0x101: {  	v59 =	vmul.f32 v37, v37;
	v49 =	vadd.f32 v26, v49;
	v32 =	vmul.f32 $1.562500000e-02, v63  }
0x102: {  	v10 =	vmul.f32 v10, v1;
	v62 =	vadd.f32 v60, v42;
	v46 =	vadd.f32 v61, v48;
	v48, _, _ =	vpop (xrf2)  }
0x103: {  	v38 =	vadd.f32 v59, v38;
	v40 =	vmul.f32 $1.562500000e-02, v48;
	v42 =	vmul.f32 v32, v32  }
0x104: {  	v29 =	vadd.f32 v29, v6;
	v11 =	vmul.f32 v11, v2;
	v13 =	vmul.f32 v13, v3;
	(xrf2) =	vadd.scan.msk.f32 $0xffff, v49  }
0x105: {  	v17 =	vmul.f32 v17, v0;
	v20 =	vmul.f32 v20, v1;
	(xrf2) =	vadd.scan.msk.f32 $0xffff, v38;
	v49 =	vsub.f32 v40, v42  }
0x106: {  	v27 =	vadd.f32 v36, v4;
	v14 =	vmul.f32 v30, v14;
	v19 =	vmul.f32 v30, v19  }
0x107: {  	[tilespmem:s1+$0x82A0] =	vst v22;
	v15 =	vmul.f32 v30, v15;
	v16 =	vmul.f32 v30, v16;
	v30 =	vadd.f32 $9.999999960e-13, v49  }
0x108: {  	v21 =	vmul.f32 v21, v2;
	v18 =	vmul.f32 v18, v3;
	v11 =	vadd.f32 v11, v6;
	(xrf2) =	vadd.scan.msk.f32 $0xffff, v62  }
0x109: {  	[tilespmem:s1+$0x82B0] =	vst v25;
	v12 =	vadd.f32 v12, v4;
	v10 =	vadd.f32 v10, v5;
	v51, _, _ =	vpop (xrf2);
	v30 =	vbroadcast v30, $0xF  }
0x10a: {  	v14 =	vmul.f32 v14, v0;
	[tilespmem:s3+$0x8220] =	vst v11;
	v11 =	vadd.f32 v17, v4;
	v54, _, _ =	vpop (xrf2);
	(xrf2) =	vadd.scan.msk.f32 $0xffff, v46  }
0x10b: {  	v36 =	vmul.f32 $1.562500000e-02, v51;
	v55 =	vshra.s32 v30, $0x1;
	v30 =	vmul.f32 $5.000000000e-01, v30  }
0x10c: {  	v32 =	vbroadcast v32, $0xF;
	v56 =	vmul.f32 $1.562500000e-02, v54;
	v57 =	vsub.s32 $0x5F3759DF, v55  }
0x10d: {  	v13 =	vadd.f32 v13, v7;
	v53 =	vbroadcast v36, $0xF;
	v58 =	vmul.f32 v57, v30  }
0x10e: {  	v19 =	vmul.f32 v19, v1;
	[tilespmem:s3+$0x8240] =	vst v11;
	v11 =	vadd.f32 v20, v5;
	v24 =	vsub.f32 v24, v32;
	v60, _, _ =	vpop (xrf2)  }
0x10f: {  	v35 =	vbroadcast v56, $0xF;
	v40 =	vsub.f32 v41, v53;
	v62, _, _ =	vpop (xrf2);
	v41 =	vmul.f32 v57, v58  }
0x110: {  	v36 =	vmul.f32 v36, v36;
	v34 =	vsub.f32 v37, v53;
	v46 =	vmul.f32 $1.562500000e-02, v62  }
0x111: {  	v59 =	vmul.f32 v56, v56;
	v39 =	vsub.f32 v39, v35;
	v41 =	vsub.f32 $1.500000000e+00, v41  }
0x112: {  	v61 =	vmul.f32 $1.562500000e-02, v60;
	v33 =	vsub.f32 v33, v35;
	v49, _, _ =	vpop (xrf2);
	v36 =	vsub.f32 v46, v36  }
0x113: {  	v47 =	vsub.f32 v47, v35;
	v38 =	vmul.f32 v57, v41;
	v41 =	vmul.f32 $1.562500000e-02, v49  }
0x114: {  	v15 =	vmul.f32 v15, v2;
	v35 =	vsub.f32 v52, v35;
	v36 =	vadd.f32 $9.999999960e-13, v36;
	v51, _, _ =	vpop (xrf2)  }
0x115: {  	v37 =	vmul.f32 v61, v61;
	v52 =	vmul.f32 $1.562500000e-02, v51;
	v41 =	vsub.f32 v41, v59  }
0x116: {  	v9 =	vsub.f32 v9, v32;
	v36 =	vbroadcast v36, $0xF;
	v30 =	vmul.f32 v38, v30  }
0x117: {  	v16 =	vmul.f32 v16, v3;
	v37 =	vsub.f32 v52, v37;
	v41 =	vadd.f32 $9.999999960e-13, v41  }
0x118: {  	v54 =	vshra.s32 v36, $0x1;
	v36 =	vmul.f32 $5.000000000e-01, v36;
	v30 =	vmul.f32 v30, v38  }
0x119: {  	v37 =	vadd.f32 $9.999999960e-13, v37;
	v55 =	vsub.s32 $0x5F3759DF, v54;
	v41 =	vbroadcast v41, $0xF  }
0x11a: {  	v42 =	vsub.f32 v45, v53;
	v57 =	vmul.f32 v55, v36;
	v30 =	vsub.f32 $1.500000000e+00, v30  }
0x11b: {  	v37 =	vbroadcast v37, $0xF;
	v56 =	vshra.s32 v41, $0x1;
	v41 =	vmul.f32 $5.000000000e-01, v41  }
0x11c: {  	v25 =	vmul.f32 v55, v57;
	v30 =	vmul.f32 v30, v38;
	v45 =	vsub.s32 $0x5F3759DF, v56  }
0x11d: {  	v58 =	vshra.s32 v37, $0x1;
	v37 =	vmul.f32 $5.000000000e-01, v37;
	v22 =	vmul.f32 v45, v41  }
0x11e: {  	v59 =	vsub.s32 $0x5F3759DF, v58;
	v25 =	vsub.f32 $1.500000000e+00, v25;
	v24 =	vmul.f32 v30, v24  }
0x11f: {  	[tilespmem:s3+$0x82C0] =	vst v27;
	v8 =	vsub.f32 v8, v32;
	v27 =	vmul.f32 v59, v37;
	v22 =	vmul.f32 v45, v22  }
0x120: {  	[tilespmem:s3+$0x8200] =	vst v12;
	v12 =	vsub.f32 v23, v32;
	v63 =	vbroadcast v61, $0xF;
	v23 =	vmul.f32 v55, v25  }
0x121: {  	[tilespmem:s3+$0x82D0] =	vst v31;
	v24 =	vmul.f32 v24, v3;
	v27 =	vmul.f32 v59, v27;
	v22 =	vsub.f32 $1.500000000e+00, v22  }
0x122: {  	[tilespmem:s3+$0x8210] =	vst v10;
	v28 =	vsub.f32 v28, v53;
	v43 =	vsub.f32 v43, v63;
	v17 =	vmul.f32 v23, v36  }
0x123: {  	[tilespmem:s3+$0x8230] =	vst v13;
	v13 =	vadd.f32 v24, v7;
	v10 =	vmul.f32 v45, v22;
	v22 =	vsub.f32 $1.500000000e+00, v27  }
0x124: {  	[tilespmem:s3+$0x82E0] =	vst v29;
	v44 =	vsub.f32 v44, v63;
	v53 =	vsub.f32 v50, v63;
	v17 =	vmul.f32 v17, v23  }
0x125: {  	v26 =	vsub.f32 v26, v63;
	v9 =	vmul.f32 v30, v9;
	[tilespmem:s13+$0x82F0] =	vst v13;
	v22 =	vmul.f32 v59, v22  }
0x126: {  	[tilespmem:s3+$0x8250] =	vst v11;
	v11 =	vadd.f32 v18, v7;
	v17 =	vsub.f32 $1.500000000e+00, v17;
	v20 =	vmul.f32 v10, v41  }
0x127: {  	v8 =	vmul.f32 v30, v8;
	v13 =	vadd.f32 v21, v6;
	v21 =	vmul.f32 v22, v37  }
0x128: {  	[tilespmem:s3+$0x8270] =	vst v11;
	v11 =	vadd.f32 v19, v5;
	v17 =	vmul.f32 v17, v23;
	v18 =	vmul.f32 v20, v10  }
0x129: {  	v12 =	vmul.f32 v30, v12;
	[tilespmem:s3+$0x8260] =	vst v13;
	v13 =	vadd.f32 v14, v4;
	v14 =	vmul.f32 v21, v22  }
0x12a: {  	v9 =	vmul.f32 v9, v0;
	[tilespmem:s3+$0x8290] =	vst v11;
	v11 =	vmul.f32 v17, v28;
	v18 =	vsub.f32 $1.500000000e+00, v18  }
0x12b: {  	v8 =	vmul.f32 v8, v1;
	[tilespmem:s3+$0x8280] =	vst v13;
	v13 =	vsub.f32 $1.500000000e+00, v14;
	v14 =	vadd.f32 v15, v6  }
0x12c: {  	v12 =	vmul.f32 v12, v2;
	v11 =	vmul.f32 v11, v0;
	v15 =	vadd.f32 v16, v7  }
0x12d: {  	v9 =	vadd.f32 v9, v4;
	v10 =	vmul.f32 v18, v10;
	v16 =	vmul.f32 v17, v40;
	[tilespmem:s3+$0x82A0] =	vst v14  }
0x12e: {  	v8 =	vadd.f32 v8, v5;
	v13 =	vmul.f32 v13, v22;
	v14 =	vmul.f32 v17, v42;
	[tilespmem:s3+$0x82B0] =	vst v15  }
0x12f: {  	v12 =	vadd.f32 v12, v6;
	v15 =	vmul.f32 v17, v34;
	[tilespmem:s13+$0x82C0] =	vst v9;
	v9 =	vmul.f32 v16, v1  }
0x130: {  	v11 =	vadd.f32 v11, v4;
	v16 =	vmul.f32 v10, v39;
	[tilespmem:s13+$0x82D0] =	vst v8;
	v8 =	vmul.f32 v14, v2  }
0x131: {  	[tilespmem:s13+$0x82E0] =	vst v12;
	v14 =	vmul.f32 v10, v33;
	v15 =	vmul.f32 v15, v3;
	v9 =	vadd.f32 v9, v5  }
0x132: {  	v12 =	vmul.f32 v10, v47;
	[tilespmem:s13+$0x8200] =	vst v11;
	v16 =	vmul.f32 v16, v0;
	v8 =	vadd.f32 v8, v6  }
0x133: {  	v10 =	vmul.f32 v10, v35;
	v11 =	vmul.f32 v14, v1;
	[tilespmem:s13+$0x8210] =	vst v9;
	v9 =	vadd.f32 v15, v7  }
0x134: {  	v14 =	vmul.f32 v13, v43;
	[tilespmem:s13+$0x8220] =	vst v8;
	v8 =	vmul.f32 v12, v2;
	v12 =	vadd.f32 v16, v4  }
0x135: {  	v15 =	vmul.f32 v13, v44;
	[tilespmem:s13+$0x8230] =	vst v9;
	v9 =	vmul.f32 v10, v3;
	v10 =	vadd.f32 v11, v5  }
0x136: {  	v14 =	vmul.f32 v14, v0;
	v11 =	vmul.f32 v13, v53;
	[tilespmem:s13+$0x8240] =	vst v12;
	v8 =	vadd.f32 v8, v6  }
0x137: {  	v12 =	vmul.f32 v13, v26;
	v13 =	vmul.f32 v15, v1;
	[tilespmem:s13+$0x8250] =	vst v10;
	v9 =	vadd.f32 v9, v7  }
0x138: {  	v10 =	vmul.f32 v11, v2;
	[tilespmem:s13+$0x8260] =	vst v8;
	v8 =	vadd.f32 v14, v4  }
0x139: {  	v11 =	vmul.f32 v12, v3;
	[tilespmem:s13+$0x8270] =	vst v9;
	v9 =	vadd.f32 v13, v5  }
0x13a: {  	s15 =	sshll.u32 s31, $0xF;
	[tilespmem:s13+$0x8280] =	vst v8;
	v8 =	vadd.f32 v10, v6  }
0x13b: {  	p1 =	seq.s32 s31, $0x31;
	s1 =	sadd.s32 s10, s15;
	[tilespmem:s13+$0x8290] =	vst v9;
	v9 =	vadd.f32 v11, v7  }
0x13c: {  	s0 =	sadd.s32 @!p1 s0, s11;
	s1 =	sshrl.u32 s1, $0x3;
	[tilespmem:s13+$0x82A0] =	vst v8  }
0x13d: {  	s0 =	sshrl.u32 @!p1 s0, $0x3;
	s1 =	sadd.s32 s4, s1;
	[tilespmem:s13+$0x82B0] =	vst v9  }
0x13e: {  	[hbm4b:s1+s5] =	stream.linear.scatter [tilespmem:s24], [sflag:$0x3], $0x4000, $0x38;
	[tilespmem:$0x10280] =	vst v63  }
0x13f: {  	s0 =	sadd.s32 @!p1 s7, s0;
	s1 =	simm.s32 @!p1 $0x0  }
0x140: {  	[tilespmem:s1], [sflag:$0x5] =	stream.linear.gather @!p1 [hbm4b:s0+s1], $0x100, $0x38;
	[tilespmem:$0x10280] =	vst v63  }
0x141: {  	s0 =	simm.s32 @!p1 $0x5  }
0x142: {  	_ =	swait.ge @!p1 [sflag:s0], $0x100  }
0x143: {  	[sflag:s0] =	ssyncset.done @!p1 $0x0  }
0x144: {  	s3 =	simm.s32 @!p1 $0x200;
	[sflag:s0] =	ssyncadd.s32 @!p1 $0xFFFFFF00;
	s0 =	simm.s32 @!p1 $0x80  }
0x145: {  	[tilespmem:s3], [sflag:$0x1] =	stream.indirect.gather @!p1 [hbm4b:s8+s0], $0x40, s1, s0, $0xb8;
	[tilespmem:$0x10280] =	vst v63  }
0x146: {  	s1 =	simm.s32 @!p1 $0x2200  }
0x147: {  	[tilespmem:s1], [sflag:$0x1] =	stream.indirect.gather @!p1 [hbm4b:s8+s0], $0x40, s0, s0, $0xb8;
	[tilespmem:$0x10280] =	vst v63  }
0x148: {  	_ =	swait.ge [sflag:s25], $0x2000  }
0x149: {  	[sflag:s25] =	ssyncset.done $0x0  }
0x14a: {  	[sflag:s25] =	ssyncadd.s32 $0xFFFFE000  }
0x14b: {  	_ =	swait.ge [sflag:s25], $0x2000  }
0x14c: {  	[sflag:s25] =	ssyncset.done $0x0  }
0x14d: {  	s0 =	simm.s32 @!p0 $0x4;
	[sflag:s25] =	ssyncadd.s32 $0xFFFFE000  }
0x14e: {  	_ =	swait.ge @!p0 [sflag:s0], $0x4000  }
0x14f: {  	[sflag:s0] =	ssyncset.done @!p0 $0x0  }
0x150: {  	[sflag:s0] =	ssyncadd.s32 @!p0 $0xFFFFC000;
	s0 =	simm.s32 $0x0  }
0x151: {  	v17 =	vld [tilespmem:s0+$0x42C0]  }
0x152: {  	v9 =	vld [tilespmem:s0+$0x42D0];
	_ =	sdelay $0x1  }
0x153: {  	v8 =	vld [tilespmem:s0+$0x42E0];
	_ =	sdelay $0x1  }
0x154: {  	v20 =	vld [tilespmem:s0+$0x42F0]  }
0x155: {  	v10 =	vadd.f32 v9, v17;
	v11 =	vmul.f32 v17, v17;
	v12 =	vmul.f32 v9, v9;
	_ =	sdelay $0x1  }
0x156: {  	v10 =	vadd.f32 v8, v10;
	v11 =	vadd.f32 v12, v11;
	v12 =	vmul.f32 v8, v8;
	_ =	sdelay $0x1  }
0x157: {  	v14 =	vld [tilespmem:s0+$0x4200];
	v10 =	vadd.f32 v20, v10;
	v11 =	vadd.f32 v12, v11;
	v12 =	vmul.f32 v20, v20  }
0x158: {  	v16 =	vld [tilespmem:s0+$0x4210]  }
0x159: {  	v19 =	vld [tilespmem:s0+$0x4240];
	(xrf2) =	vadd.scan.msk.f32 $0xffff, v10;
	v10 =	vadd.f32 v12, v11  }
0x15a: {  	v21 =	vld [tilespmem:s0+$0x4250]  }
0x15b: {  	v15 =	vld [tilespmem:s0+$0x4280];
	(xrf2) =	vadd.scan.msk.f32 $0xffff, v10  }
0x15c: {  	v22 =	vld [tilespmem:s0+$0x4220]  }
0x15d: {  	v24 =	vld [tilespmem:s0+$0x4230]  }
0x15e: {  	v12 =	vld [tilespmem:s0+$0x4290]  }
0x15f: {  	v23 =	vld [tilespmem:s0+$0x4260];
	v25 =	vadd.f32 v16, v14;
	v26 =	vmul.f32 v19, v19  }
0x160: {  	v13 =	vld [tilespmem:s0+$0x42A0];
	v11 =	vmul.f32 v16, v16;
	v10 =	vmul.f32 v14, v14  }
0x161: {  	v27 =	vld [tilespmem:s0+$0x4270];
	v28 =	vmul.f32 v21, v21;
	v29 =	vmul.f32 v22, v22;
	v25 =	vadd.f32 v22, v25  }
0x162: {  	v18 =	vld [tilespmem:s0+$0x42B0];
	v30 =	vmul.f32 v15, v15;
	v10 =	vadd.f32 v11, v10;
	v11 =	vadd.f32 v21, v19  }
0x163: {  	v61 =	vmul.f32 v24, v24;
	v26 =	vadd.f32 v28, v26;
	v31 =	vadd.f32 v12, v15;
	v60, _, _ =	vpop (xrf2)  }
0x164: {  	v11 =	vadd.f32 v23, v11;
	v10 =	vadd.f32 v29, v10;
	v29 =	vmul.f32 $1.562500000e-02, v60  }
0x165: {  	v28 =	vmul.f32 v23, v23;
	v25 =	vadd.f32 v24, v25;
	v31 =	vadd.f32 v13, v31;
	v62, _, _ =	vpop (xrf2)  }
0x166: {  	v11 =	vadd.f32 v27, v11;
	v33 =	vmul.f32 $1.562500000e-02, v62;
	v63 =	vmul.f32 v29, v29  }
0x167: {  	v26 =	vadd.f32 v28, v26;
	(xrf2) =	vadd.scan.msk.f32 $0xffff, v25;
	v25 =	vmul.f32 v12, v12;
	v31 =	vadd.f32 v18, v31  }
0x168: {  	v10 =	vadd.f32 v61, v10;
	(xrf2) =	vadd.scan.msk.f32 $0xffff, v11;
	v11 =	vsub.f32 v33, v63  }
0x169: {  	v28 =	vmul.f32 v27, v27;
	v25 =	vadd.f32 v25, v30;
	v30 =	vmul.f32 v13, v13;
	(xrf2) =	vadd.scan.msk.f32 $0xffff, v31  }
0x16a: {  	(xrf2) =	vadd.scan.msk.f32 $0xffff, v10;
	v10 =	vadd.f32 $9.999999960e-13, v11  }
0x16b: {  	v25 =	vadd.f32 v30, v25;
	v11 =	vadd.f32 v28, v26;
	v26 =	vmul.f32 v18, v18  }
0x16c: {  	v10 =	vbroadcast v10, $0xF  }
0x16d: {  	(xrf2) =	vadd.scan.msk.f32 $0xffff, v11;
	v11 =	vadd.f32 v26, v25  }
0x16e: {  	v25 =	vshra.s32 v10, $0x1;
	v26 =	vmul.f32 $5.000000000e-01, v10  }
0x16f: {  	v25 =	vsub.s32 $0x5F3759DF, v25  }
0x170: {  	v10 =	vmul.f32 v25, v26  }
0x171: {  	(xrf2) =	vadd.scan.msk.f32 $0xffff, v11;
	v11, _, _ =	vpop (xrf2)  }
0x172: {  	v11 =	vmul.f32 $1.562500000e-02, v11;
	v10 =	vmul.f32 v25, v10;
	_ =	sdelay $0x1  }
0x173: {  	v29 =	vbroadcast v29, $0xF;
	v28, _, _ =	vpop (xrf2);
	v37 =	vsub.f32 $1.500000000e+00, v10  }
0x174: {  	v30, _, _ =	vpop (xrf2);
	v28 =	vmul.f32 $1.562500000e-02, v28;
	v31 =	vbroadcast v11, $0xF  }
0x175: {  	v20 =	vsub.f32 v20, v29;
	v36 =	vmul.f32 v11, v11;
	v11, _, _ =	vpop (xrf2);
	v25 =	vmul.f32 v25, v37  }
0x176: {  	v17 =	vsub.f32 v17, v29;
	v39 =	vmul.f32 v28, v28;
	v38 =	vmul.f32 $1.562500000e-02, v11  }
0x177: {  	v10 =	vsub.f32 v16, v31;
	v11 =	vsub.f32 v14, v31;
	v14, _, _ =	vpop (xrf2);
	v26 =	vmul.f32 v25, v26  }
0x178: {  	v16 =	vsub.f32 v22, v31;
	v22 =	vmul.f32 $1.562500000e-02, v14;
	v32 =	vsub.f32 v38, v36  }
0x179: {  	v30 =	vmul.f32 $1.562500000e-02, v30;
	v14 =	vsub.f32 v24, v31;
	v26 =	vmul.f32 v26, v25  }
0x17a: {  	v24 =	vbroadcast v28, $0xF;
	v40, _, _ =	vpop (xrf2);
	v22 =	vsub.f32 v22, v39;
	v28 =	vadd.f32 $9.999999960e-13, v32  }
0x17b: {  	v31 =	vmul.f32 v30, v30;
	v32 =	vmul.f32 $1.562500000e-02, v40;
	v26 =	vsub.f32 $1.500000000e+00, v26  }
0x17c: {  	v46 =	vsub.f32 v9, v29;
	v22 =	vadd.f32 $9.999999960e-13, v22;
	v28 =	vbroadcast v28, $0xF  }
0x17d: {  	v8 =	vsub.f32 v8, v29;
	v31 =	vsub.f32 v32, v31;
	v25 =	vmul.f32 v26, v25  }
0x17e: {  	v30 =	vbroadcast v30, $0xF;
	v22 =	vbroadcast v22, $0xF;
	v41 =	vshra.s32 v28, $0x1  }
0x17f: {  	v26 =	vmul.f32 $5.000000000e-01, v28;
	v28 =	vadd.f32 $9.999999960e-13, v31;
	v20 =	vmul.f32 v25, v20  }
0x180: {  	v31 =	vsub.s32 $0x5F3759DF, v41;
	v42 =	vshra.s32 v22, $0x1;
	v22 =	vmul.f32 $5.000000000e-01, v22  }
0x181: {  	v32 =	vsub.s32 $0x5F3759DF, v42;
	v43 =	vmul.f32 v31, v26;
	v20 =	vmul.f32 v20, v3  }
0x182: {  	v34 =	vsub.f32 v23, v24;
	v28 =	vbroadcast v28, $0xF;
	v23 =	vmul.f32 v32, v22  }
0x183: {  	v19 =	vsub.f32 v19, v24;
	v33 =	vmul.f32 v31, v43;
	v20 =	vadd.f32 v20, v7  }
0x184: {  	v44 =	vshra.s32 v28, $0x1;
	v28 =	vmul.f32 $5.000000000e-01, v28;
	v23 =	vmul.f32 v32, v23  }
0x185: {  	s1 =	simm.s32 $0x100;
	v21 =	vsub.f32 v21, v24;
	v35 =	vsub.s32 $0x5F3759DF, v44;
	v9 =	vsub.f32 $1.500000000e+00, v33;
	[tilespmem:s0+$0xC2F0] =	vst v20  }
0x186: {  	v15 =	vsub.f32 v15, v30;
	v45 =	vmul.f32 v35, v28;
	v47 =	vsub.f32 $1.500000000e+00, v23;
	v23 =	vld [tilespmem:s1+$0x42C0]  }
0x187: {  	v12 =	vsub.f32 v12, v30;
	v17 =	vmul.f32 v25, v17;
	v29 =	vmul.f32 v31, v9;
	v9 =	vld [tilespmem:s1+$0x42D0]  }
0x188: {  	v13 =	vsub.f32 v13, v30;
	v48 =	vmul.f32 v25, v46;
	v20 =	vmul.f32 v35, v45;
	v33 =	vld [tilespmem:s1+$0x4200]  }
0x189: {  	v18 =	vsub.f32 v18, v30;
	v25 =	vmul.f32 v25, v8;
	v31 =	vmul.f32 v32, v47;
	v8 =	vld [tilespmem:s1+$0x42E0]  }
0x18a: {  	v17 =	vmul.f32 v17, v0;
	v30 =	vmul.f32 v48, v1;
	v32 =	vld [tilespmem:s1+$0x4240];
	v20 =	vsub.f32 $1.500000000e+00, v20  }
0x18b: {  	v27 =	vsub.f32 v27, v24;
	v37 =	vld [tilespmem:s1+$0x4250];
	v24 =	vmul.f32 v29, v26;
	v22 =	vmul.f32 v31, v22  }
0x18c: {  	v25 =	vmul.f32 v25, v2;
	v41 =	vld [tilespmem:s1+$0x4280];
	v20 =	vmul.f32 v35, v20  }
0x18d: {  	v49 =	vmul.f32 v24, v29;
	v24 =	vld [tilespmem:s1+$0x42F0];
	v22 =	vmul.f32 v22, v31  }
0x18e: {  	v42 =	vld [tilespmem:s1+$0x4290];
	v50 =	vadd.f32 v9, v23;
	v51 =	vmul.f32 v23, v23;
	v52 =	vmul.f32 v9, v9  }
0x18f: {  	v25 =	vadd.f32 v25, v6;
	v44 =	vld [tilespmem:s1+$0x4220];
	v28 =	vmul.f32 v20, v28;
	v53 =	vmul.f32 v33, v33  }
0x190: {  	v26 =	vld [tilespmem:s1+$0x4210];
	v54 =	vmul.f32 v8, v8;
	v36 =	vadd.f32 v8, v50;
	v38 =	vadd.f32 v52, v51  }
0x191: {  	v46 =	vld [tilespmem:s1+$0x4260];
	v35 =	vsub.f32 $1.500000000e+00, v49;
	v57 =	vmul.f32 v32, v32;
	v58 =	vmul.f32 v37, v37  }
0x192: {  	v56 =	vmul.f32 v24, v24;
	v36 =	vadd.f32 v24, v36;
	v38 =	vadd.f32 v54, v38  }
0x193: {  	v59 =	vadd.f32 v37, v32;
	v60 =	vmul.f32 v41, v41;
	v62 =	vmul.f32 v42, v42  }
0x194: {  	v63 =	vmul.f32 v44, v44;
	v22 =	vsub.f32 $1.500000000e+00, v22;
	(xrf2) =	vadd.scan.msk.f32 $0xffff, v36;
	v36 =	vld [tilespmem:s1+$0x4230];
	v38 =	vadd.f32 v56, v38  }
0x195: {  	v49 =	vld [tilespmem:s1+$0x42A0];
	v43 =	vadd.f32 v26, v33;
	v55 =	vmul.f32 v26, v26;
	v28 =	vmul.f32 v28, v20  }
0x196: {  	v50 =	vld [tilespmem:s1+$0x4270];
	v47 =	vadd.f32 v58, v57;
	v29 =	vmul.f32 v35, v29;
	v57 =	vadd.f32 v46, v59;
	(xrf2) =	vadd.scan.msk.f32 $0xffff, v38  }
0x197: {  	v58 =	vmul.f32 v46, v46;
	v59 =	vadd.f32 v62, v60;
	v56 =	vadd.f32 v44, v43  }
0x198: {  	v40 =	vadd.f32 v55, v53;
	v22 =	vmul.f32 v22, v31;
	v11 =	vmul.f32 v29, v11  }
0x199: {  	v10 =	vmul.f32 v29, v10;
	v16 =	vmul.f32 v29, v16;
	v35 =	vadd.f32 v36, v56  }
0x19a: {  	v28 =	vsub.f32 $1.500000000e+00, v28;
	v14 =	vmul.f32 v29, v14;
	v60 =	vmul.f32 v49, v49  }
0x19b: {  	v53 =	vld [tilespmem:s1+$0x42B0];
	v19 =	vmul.f32 v22, v19;
	v21 =	vmul.f32 v22, v21;
	v38 =	vadd.f32 v50, v57;
	(xrf2) =	vadd.scan.msk.f32 $0xffff, v35  }
0x19c: {  	v61 =	vadd.f32 v42, v41;
	v34 =	vmul.f32 v22, v34;
	v22 =	vmul.f32 v22, v27  }
0x19d: {  	v39 =	vadd.f32 v58, v47;
	v20 =	vmul.f32 v28, v20;
	v11 =	vmul.f32 v11, v0;
	(xrf2) =	vadd.scan.msk.f32 $0xffff, v38  }
0x19e: {  	v31 =	vadd.f32 v49, v61;
	v10 =	vmul.f32 v10, v1;
	v14 =	vmul.f32 v14, v3;
	v55, _, _ =	vpop (xrf2)  }
0x19f: {  	v40 =	vadd.f32 v63, v40;
	v61 =	vmul.f32 v36, v36;
	v38 =	vmul.f32 $1.562500000e-02, v55  }
0x1a0: {  	v62 =	vmul.f32 v50, v50;
	v31 =	vadd.f32 v53, v31;
	v57 =	vadd.f32 v17, v4;
	v56, _, _ =	vpop (xrf2)  }
0x1a1: {  	v28 =	vadd.f32 v61, v40;
	v17 =	vmul.f32 $1.562500000e-02, v56;
	v27 =	vmul.f32 v38, v38  }
0x1a2: {  	v54 =	vadd.f32 v60, v59;
	v59 =	vmul.f32 v19, v0;
	v51 =	vmul.f32 v21, v1;
	(xrf2) =	vadd.scan.msk.f32 $0xffff, v31  }
0x1a3: {  	v63 =	vmul.f32 v53, v53;
	v31 =	vmul.f32 v20, v12;
	(xrf2) =	vadd.scan.msk.f32 $0xffff, v28;
	v12 =	vsub.f32 v17, v27  }
0x1a4: {  	v58 =	vmul.f32 v20, v13;
	v29 =	vadd.f32 v62, v39;
	v39 =	vadd.f32 v30, v5  }
0x1a5: {  	v30 =	vmul.f32 v20, v15;
	v15 =	vmul.f32 v16, v2;
	v12 =	vadd.f32 $9.999999960e-13, v12;
	v13, _, _ =	vpop (xrf2)  }
0x1a6: {  	v45 =	vmul.f32 v20, v18;
	v48 =	vadd.f32 v10, v5;
	v13 =	vmul.f32 $1.562500000e-02, v13  }
0x1a7: {  	v52 =	vadd.f32 v15, v6;
	v28 =	vadd.f32 v11, v4;
	(xrf2) =	vadd.scan.msk.f32 $0xffff, v29;
	v10, _, _ =	vpop (xrf2);
	v11 =	vbroadcast v12, $0xF  }
0x1a8: {  	v35 =	vadd.f32 v63, v54;
	v15 =	vmul.f32 $1.562500000e-02, v10;
	v16 =	vbroadcast v13, $0xF  }
0x1a9: {  	v19 =	vmul.f32 v13, v13;
	v13 =	vshra.s32 v11, $0x1;
	v29 =	vmul.f32 $5.000000000e-01, v11  }
0x1aa: {  	v30 =	vmul.f32 v30, v0;
	(xrf2) =	vadd.scan.msk.f32 $0xffff, v35;
	v61 =	vmul.f32 v15, v15;
	v60 =	vsub.s32 $0x5F3759DF, v13  }
0x1ab: {  	v12 =	vsub.f32 v33, v16;
	v10 =	vsub.f32 v26, v16;
	v17 =	vmul.f32 v60, v29  }
0x1ac: {  	v18, _, _ =	vpop (xrf2);
	v15 =	vbroadcast v15, $0xF;
	v11 =	vsub.f32 v44, v16;
	v13 =	vsub.f32 v36, v16  }
0x1ad: {  	v16 =	vmul.f32 $1.562500000e-02, v18;
	v44 =	vadd.f32 v14, v7;
	v14, _, _ =	vpop (xrf2);
	v18 =	vmul.f32 v60, v17  }
0x1ae: {  	v38 =	vbroadcast v38, $0xF;
	v14 =	vmul.f32 $1.562500000e-02, v14;
	v20 =	vsub.f32 v37, v15  }
0x1af: {  	v62 =	vbroadcast v16, $0xF;
	v63 =	vmul.f32 v16, v16;
	v16 =	vsub.f32 $1.500000000e+00, v18  }
0x1b0: {  	v27 =	vmul.f32 v22, v3;
	v21 =	vsub.f32 v46, v15;
	v17 =	vsub.f32 v32, v15  }
0x1b1: {  	v22 =	vsub.f32 v14, v19;
	v18 =	vsub.f32 v50, v15;
	v15, _, _ =	vpop (xrf2);
	v33 =	vmul.f32 v60, v16  }
0x1b2: {  	v54 =	vadd.f32 v59, v4;
	v24 =	vsub.f32 v24, v38;
	v46 =	vmul.f32 $1.562500000e-02, v15  }
0x1b3: {  	v23 =	vsub.f32 v23, v38;
	v22 =	vadd.f32 $9.999999960e-13, v22;
	v50 =	vmul.f32 v33, v29  }
0x1b4: {  	v16 =	vsub.f32 v53, v62;
	v53, _, _ =	vpop (xrf2);
	v35 =	vsub.f32 v46, v61;
	v29 =	vmul.f32 v31, v1  }
0x1b5: {  	v9 =	vsub.f32 v9, v38;
	v31 =	vmul.f32 $1.562500000e-02, v53;
	v32 =	vmul.f32 v50, v33  }
0x1b6: {  	v14 =	vsub.f32 v41, v62;
	v55 =	vbroadcast v22, $0xF;
	v35 =	vadd.f32 $9.999999960e-13, v35  }
0x1b7: {  	v26 =	vmul.f32 v34, v2;
	v34 =	vsub.f32 v31, v63;
	v32 =	vsub.f32 $1.500000000e+00, v32  }
0x1b8: {  	v22 =	vmul.f32 v58, v2;
	v56 =	vshra.s32 v55, $0x1;
	v35 =	vbroadcast v35, $0xF  }
0x1b9: {  	[tilespmem:s0+$0xC2C0] =	vst v57;
	v59 =	vsub.s32 $0x5F3759DF, v56;
	v57 =	vadd.f32 $9.999999960e-13, v34;
	v58 =	vmul.f32 v32, v33  }
0x1ba: {  	[tilespmem:s0+$0xC2E0] =	vst v25;
	v31 =	vmul.f32 $5.000000000e-01, v55;
	v60 =	vshra.s32 v35, $0x1;
	v34 =	vmul.f32 $5.000000000e-01, v35  }
0x1bb: {  	[tilespmem:s0+$0xC210] =	vst v48;
	v25 =	vsub.s32 $0x5F3759DF, v60;
	v61 =	vbroadcast v57, $0xF;
	v24 =	vmul.f32 v58, v24  }
0x1bc: {  	[tilespmem:s0+$0xC200] =	vst v28;
	v19 =	vsub.f32 v42, v62;
	v28 =	vmul.f32 v59, v31;
	v35 =	vmul.f32 v25, v34  }
0x1bd: {  	[tilespmem:s0+$0xC2D0] =	vst v39;
	v36 =	vshra.s32 v61, $0x1;
	v33 =	vmul.f32 $5.000000000e-01, v61;
	v24 =	vmul.f32 v24, v3  }
0x1be: {  	[tilespmem:s0+$0xC220] =	vst v52;
	v28 =	vmul.f32 v59, v28;
	v35 =	vmul.f32 v25, v35;
	v36 =	vsub.s32 $0x5F3759DF, v36  }
0x1bf: {  	[tilespmem:s0+$0xC240] =	vst v54;
	v15 =	vsub.f32 v49, v62;
	v62 =	vmul.f32 v36, v33;
	v24 =	vadd.f32 v24, v7  }
0x1c0: {  	[tilespmem:s0+$0xC230] =	vst v44;
	v28 =	vsub.f32 $1.500000000e+00, v28;
	v39 =	vmul.f32 v58, v23;
	v63 =	vsub.f32 $1.500000000e+00, v35  }
0x1c1: {  	s3 =	simm.s32 $0x200;
	v38 =	vsub.f32 v8, v38;
	v37 =	vmul.f32 v58, v9;
	v40 =	vmul.f32 v36, v62;
	[tilespmem:s1+$0xC2F0] =	vst v24  }
0x1c2: {  	v23 =	vadd.f32 v51, v5;
	v35 =	vmul.f32 v59, v28;
	v32 =	vmul.f32 v25, v63;
	v9 =	vld [tilespmem:s3+$0x42C0]  }
0x1c3: {  	s13 =	simm.s32 $0xC00;
	v38 =	vmul.f32 v58, v38;
	v25 =	vmul.f32 v45, v3;
	v40 =	vsub.f32 $1.500000000e+00, v40;
	v8 =	vld [tilespmem:s3+$0x42D0]  }
.LBB2_5:
0x1c4: {  	p0 =	sne.s32 s13, $0xFC00;
	v28 =	vld [tilespmem:s3+$0x4200];
	v24 =	vmul.f32 v35, v31;
	v31 =	vmul.f32 v32, v34;
	[tilespmem:s0+$0xC250] =	vst v23;
	v34 =	vadd.f32 v26, v6  }
0x1c5: {  	v39 =	vmul.f32 v39, v0;
	v27 =	vadd.f32 v27, v7;
	v23 =	vld [tilespmem:s3+$0x42E0];
	v40 =	vmul.f32 v36, v40  }
0x1c6: {  	v30 =	vadd.f32 v30, v4;
	v26 =	vld [tilespmem:s3+$0x4210];
	v36 =	vmul.f32 v24, v35;
	v41 =	vmul.f32 v31, v32;
	[tilespmem:s0+$0xC260] =	vst v34  }
0x1c7: {  	v42 =	vmul.f32 v37, v1;
	v29 =	vadd.f32 v29, v5;
	v24 =	vld [tilespmem:s3+$0x42F0];
	v33 =	vmul.f32 v40, v33;
	[tilespmem:s0+$0xC270] =	vst v27  }
0x1c8: {  	v38 =	vmul.f32 v38, v2;
	v27 =	vld [tilespmem:s3+$0x4240];
	v34 =	vadd.f32 v8, v9;
	v36 =	vsub.f32 $1.500000000e+00, v36;
	[tilespmem:s0+$0xC280] =	vst v30  }
0x1c9: {  	v37 =	vmul.f32 v9, v9;
	v43 =	vmul.f32 v8, v8;
	v41 =	vsub.f32 $1.500000000e+00, v41;
	v31 =	vld [tilespmem:s3+$0x4250];
	[tilespmem:s0+$0xC290] =	vst v29  }
0x1ca: {  	v44 =	vmul.f32 v28, v28;
	v33 =	vmul.f32 v33, v40;
	v29 =	vld [tilespmem:s3+$0x4280];
	v34 =	vadd.f32 v23, v34  }
0x1cb: {  	v43 =	vadd.f32 v43, v37;
	v46 =	vmul.f32 v23, v23;
	v45 =	vadd.f32 v26, v28;
	v30 =	vld [tilespmem:s3+$0x4290]  }
0x1cc: {  	v47 =	vmul.f32 v26, v26;
	v49 =	vsub.f32 $1.500000000e+00, v33;
	v37 =	vld [tilespmem:s3+$0x4220];
	v48 =	vadd.f32 v24, v34  }
0x1cd: {  	v43 =	vadd.f32 v46, v43;
	v46 =	vmul.f32 v24, v24;
	v34 =	vld [tilespmem:s3+$0x4260];
	v50 =	vmul.f32 v27, v27  }
0x1ce: {  	v44 =	vadd.f32 v47, v44;
	v47 =	vadd.f32 v31, v27;
	v51 =	vmul.f32 v31, v31;
	v33 =	vld [tilespmem:s3+$0x42A0];
	(xrf2) =	vadd.scan.msk.f32 $0xffff, v48  }
0x1cf: {  	v43 =	vadd.f32 v46, v43;
	v46 =	vmul.f32 v36, v35;
	v48 =	vld [tilespmem:s3+$0x4230];
	v52 =	vmul.f32 v29, v29  }
0x1d0: {  	v36 =	vld [tilespmem:s3+$0x4270];
	v50 =	vadd.f32 v51, v50;
	v51 =	vadd.f32 v30, v29;
	v53 =	vmul.f32 v30, v30  }
0x1d1: {  	v32 =	vmul.f32 v41, v32;
	v45 =	vadd.f32 v37, v45;
	v54 =	vmul.f32 v37, v37;
	v35 =	vld [tilespmem:s3+$0x42B0];
	(xrf2) =	vadd.scan.msk.f32 $0xffff, v43  }
0x1d2: {  	v41 =	vadd.f32 v34, v47;
	v43 =	vmul.f32 v34, v34;
	v47 =	vadd.f32 v53, v52  }
0x1d3: {  	v44 =	vadd.f32 v54, v44;
	v51 =	vadd.f32 v33, v51;
	v52 =	vmul.f32 v33, v33  }
0x1d4: {  	v45 =	vadd.f32 v48, v45;
	v53 =	vmul.f32 v48, v48;
	v43 =	vadd.f32 v43, v50  }
0x1d5: {  	v41 =	vadd.f32 v36, v41;
	v50 =	vmul.f32 v36, v36;
	v54 =	vadd.f32 v52, v47  }
0x1d6: {  	v44 =	vadd.f32 v53, v44;
	v51 =	vadd.f32 v35, v51;
	v52 =	vmul.f32 v35, v35;
	(xrf2) =	vadd.scan.msk.f32 $0xffff, v45  }
0x1d7: {  	v40 =	vmul.f32 v49, v40;
	v12 =	vmul.f32 v46, v12;
	v43 =	vadd.f32 v50, v43  }
0x1d8: {  	v10 =	vmul.f32 v46, v10;
	v11 =	vmul.f32 v46, v11;
	v45 =	vadd.f32 v52, v54;
	v47, _, _ =	vpop (xrf2)  }
0x1d9: {  	v22 =	vadd.f32 v22, v6;
	v17 =	vmul.f32 v32, v17;
	v13 =	vmul.f32 v46, v13;
	(xrf2) =	vadd.scan.msk.f32 $0xffff, v41  }
0x1da: {  	v25 =	vadd.f32 v25, v7;
	v20 =	vmul.f32 v32, v20;
	v41 =	vmul.f32 $1.562500000e-02, v47  }
0x1db: {  	v21 =	vmul.f32 v32, v21;
	v32 =	vmul.f32 v32, v18;
	v18 =	vadd.f32 v39, v4;
	v46, _, _ =	vpop (xrf2);
	[tilespmem:s0+$0xC2A0] =	vst v22  }
0x1dc: {  	v42 =	vadd.f32 v42, v5;
	v39 =	vmul.f32 v41, v41;
	v22 =	vmul.f32 $1.562500000e-02, v46;
	(xrf2) =	vadd.scan.msk.f32 $0xffff, v51  }
0x1dd: {  	v47 =	vmul.f32 v40, v19;
	v46 =	vmul.f32 v40, v14;
	v14 =	vadd.f32 v38, v6;
	[tilespmem:s0+$0xC2B0] =	vst v25;
	s0 =	smov.u32 s1;
	s1 =	smov.u32 s3  }
0x1de: {  	v25 =	vmul.f32 v40, v16;
	v19 =	vsub.f32 v22, v39;
	v22 =	vmul.f32 v40, v15;
	[tilespmem:s0+$0xC2C0] =	vst v18  }
0x1df: {  	v12 =	vmul.f32 v12, v0;
	v10 =	vmul.f32 v10, v1;
	(xrf2) =	vadd.scan.msk.f32 $0xffff, v44;
	[tilespmem:s0+$0xC2D0] =	vst v42  }
0x1e0: {  	v11 =	vmul.f32 v11, v2;
	v18 =	vmul.f32 v13, v3;
	v15 =	vadd.f32 $9.999999960e-13, v19;
	v16, _, _ =	vpop (xrf2);
	[tilespmem:s0+$0xC2E0] =	vst v14  }
0x1e1: {  	v12 =	vadd.f32 v12, v4;
	v38 =	vmul.f32 v17, v0;
	v19 =	vmul.f32 $1.562500000e-02, v16  }
0x1e2: {  	v10 =	vadd.f32 v10, v5;
	v40 =	vmul.f32 v20, v1;
	v14 =	vbroadcast v15, $0xF;
	(xrf2) =	vadd.scan.msk.f32 $0xffff, v43  }
0x1e3: {  	v17 =	vadd.f32 v11, v6;
	v15 =	vbroadcast v19, $0xF;
	v16 =	vmul.f32 v19, v19;
	v13, _, _ =	vpop (xrf2);
	[tilespmem:s0+$0xC200] =	vst v12  }
0x1e4: {  	v19 =	vmul.f32 $1.562500000e-02, v13;
	v11 =	vshra.s32 v14, $0x1;
	v39 =	vmul.f32 $5.000000000e-01, v14;
	[tilespmem:s0+$0xC210] =	vst v10  }
0x1e5: {  	v12 =	vsub.f32 v28, v15;
	v10 =	vsub.f32 v26, v15;
	v28 =	vsub.s32 $0x5F3759DF, v11;
	(xrf2) =	vadd.scan.msk.f32 $0xffff, v45  }
0x1e6: {  	v11 =	vsub.f32 v37, v15;
	v37 =	vmul.f32 v19, v19;
	v14 =	vmul.f32 v28, v39;
	v20, _, _ =	vpop (xrf2);
	[tilespmem:s0+$0xC220] =	vst v17  }
0x1e7: {  	v13 =	vsub.f32 v48, v15;
	v15 =	vbroadcast v19, $0xF;
	v20 =	vmul.f32 $1.562500000e-02, v20  }
0x1e8: {  	v18 =	vadd.f32 v18, v7;
	v26 =	vmul.f32 v21, v2;
	v14 =	vmul.f32 v28, v14  }
0x1e9: {  	v17 =	vsub.f32 v27, v15;
	v42 =	vbroadcast v20, $0xF;
	v43 =	vmul.f32 v20, v20;
	v19, _, _ =	vpop (xrf2)  }
0x1ea: {  	v20 =	vsub.f32 v31, v15;
	v19 =	vmul.f32 $1.562500000e-02, v19;
	v31 =	vsub.f32 $1.500000000e+00, v14;
	[tilespmem:s0+$0xC230] =	vst v18  }
0x1eb: {  	v21 =	vsub.f32 v34, v15;
	v27 =	vmul.f32 v32, v3;
	v18 =	vsub.f32 v36, v15  }
0x1ec: {  	v14 =	vsub.f32 v29, v42;
	v16 =	vsub.f32 v19, v16;
	v28 =	vmul.f32 v28, v31;
	v15, _, _ =	vpop (xrf2)  }
0x1ed: {  	v19 =	vsub.f32 v30, v42;
	v29 =	vmul.f32 $1.562500000e-02, v15;
	v15 =	vsub.f32 v33, v42  }
0x1ee: {  	v31 =	vadd.f32 $9.999999960e-13, v16;
	v16 =	vsub.f32 v35, v42;
	v32 =	vmul.f32 v28, v39  }
0x1ef: {  	v30 =	vmul.f32 v46, v0;
	v33 =	vsub.f32 v29, v37;
	v34, _, _ =	vpop (xrf2);
	v29 =	vmul.f32 v47, v1  }
0x1f0: {  	v35 =	vadd.f32 v38, v4;
	v34 =	vmul.f32 $1.562500000e-02, v34;
	v32 =	vmul.f32 v32, v28  }
0x1f1: {  	v22 =	vmul.f32 v22, v2;
	v31 =	vbroadcast v31, $0xF;
	v33 =	vadd.f32 $9.999999960e-13, v33  }
0x1f2: {  	v38 =	vbroadcast v41, $0xF;
	v34 =	vsub.f32 v34, v43;
	v32 =	vsub.f32 $1.500000000e+00, v32;
	[tilespmem:s0+$0xC240] =	vst v35  }
0x1f3: {  	v35 =	vshra.s32 v31, $0x1;
	v31 =	vmul.f32 $5.000000000e-01, v31;
	v33 =	vbroadcast v33, $0xF  }
0x1f4: {  	v24 =	vsub.f32 v24, v38;
	v36 =	vadd.f32 $9.999999960e-13, v34;
	v28 =	vmul.f32 v32, v28  }
0x1f5: {  	v32 =	vsub.s32 $0x5F3759DF, v35;
	v35 =	vshra.s32 v33, $0x1;
	v34 =	vmul.f32 $5.000000000e-01, v33  }
0x1f6: {  	v41 =	vsub.s32 $0x5F3759DF, v35;
	v33 =	vbroadcast v36, $0xF;
	v24 =	vmul.f32 v28, v24  }
0x1f7: {  	v9 =	vsub.f32 v9, v38;
	v35 =	vmul.f32 v32, v31;
	v36 =	vmul.f32 v41, v34  }
0x1f8: {  	v37 =	vshra.s32 v33, $0x1;
	v33 =	vmul.f32 $5.000000000e-01, v33;
	v24 =	vmul.f32 v24, v3  }
0x1f9: {  	v35 =	vmul.f32 v32, v35;
	v39 =	vmul.f32 v41, v36;
	v36 =	vsub.s32 $0x5F3759DF, v37  }
.Ltmp1:
0x1fa: {  	v8 =	vsub.f32 v8, v38;
	v37 =	vmul.f32 v36, v33;
	v24 =	vadd.f32 v24, v7;
	(pc) =	sbr.rel @p0 .LBB2_5-.Ltmp1, $4  }
0x1fb: {  	v35 =	vsub.f32 $1.500000000e+00, v35;
	v42 =	vsub.f32 $1.500000000e+00, v39;
	v39 =	vmul.f32 v28, v9  }
0x1fc: {  	s3 =	sshra.s32 s13, $0x2;
	v38 =	vsub.f32 v23, v38;
	v43 =	vmul.f32 v36, v37;
	v37 =	vmul.f32 v28, v8;
	[tilespmem:s1+$0xC2F0] =	vst v24  }
0x1fd: {  	v23 =	vadd.f32 v40, v5;
	v35 =	vmul.f32 v32, v35;
	v9 =	vld [tilespmem:s3+$0x42C0];
	v32 =	vmul.f32 v41, v42  }
0x1fe: {  	s13 =	sadd.s32 $0x400, s13;
	v25 =	vmul.f32 v25, v3;
	v38 =	vmul.f32 v28, v38;
	v8 =	vld [tilespmem:s3+$0x42D0];
	v40 =	vsub.f32 $1.500000000e+00, v43  }
0x1ff: {  	v24 =	vadd.f32 v26, v6;
	v50 =	vadd.f32 v27, v7;
	v51 =	vmul.f32 v35, v31  }
0x200: {  	v28 =	vld [tilespmem:s3+$0x4200];
	[tilespmem:s0+$0xC250] =	vst v23;
	v52 =	vmul.f32 v32, v34;
	v30 =	vadd.f32 v30, v4;
	v29 =	vadd.f32 v29, v5  }
0x201: {  	v31 =	vmul.f32 v37, v1;
	v22 =	vadd.f32 v22, v6;
	v23 =	vld [tilespmem:s3+$0x42E0];
	v34 =	vmul.f32 v36, v40  }
0x202: {  	v41 =	vld [tilespmem:s3+$0x4210];
	v36 =	vmul.f32 v39, v0;
	v25 =	vadd.f32 v25, v7;
	[tilespmem:s0+$0xC260] =	vst v24;
	v53 =	vmul.f32 v51, v35  }
0x203: {  	v54 =	vmul.f32 v52, v32;
	v31 =	vadd.f32 v31, v5;
	v24 =	vld [tilespmem:s3+$0x42F0];
	[tilespmem:s0+$0xC270] =	vst v50;
	v55 =	vmul.f32 v34, v33  }
0x204: {  	v57 =	vmul.f32 v9, v9;
	v39 =	vld [tilespmem:s3+$0x4240];
	[tilespmem:s0+$0xC280] =	vst v30;
	v56 =	vadd.f32 v8, v9;
	v42 =	vmul.f32 v8, v8  }
0x205: {  	v26 =	vsub.f32 $1.500000000e+00, v53;
	v27 =	vsub.f32 $1.500000000e+00, v54;
	v33 =	vld [tilespmem:s3+$0x4250];
	[tilespmem:s0+$0xC290] =	vst v29;
	v29 =	vmul.f32 v38, v2  }
0x206: {  	v58 =	vmul.f32 v28, v28;
	v30 =	vmul.f32 v55, v34;
	v37 =	vadd.f32 v23, v56  }
0x207: {  	v40 =	vadd.f32 v42, v57;
	v59 =	vmul.f32 v23, v23;
	v35 =	vmul.f32 v26, v35  }
0x208: {  	v43 =	vld [tilespmem:s3+$0x4280];
	v46 =	vmul.f32 v41, v41;
	v48 =	vadd.f32 v41, v28;
	v27 =	vmul.f32 v27, v32  }
0x209: {  	v44 =	vld [tilespmem:s3+$0x4290];
	v37 =	vadd.f32 v24, v37;
	v60 =	vmul.f32 v24, v24;
	v12 =	vmul.f32 v35, v12  }
0x20a: {  	v45 =	vld [tilespmem:s3+$0x4220];
	v40 =	vadd.f32 v59, v40;
	v10 =	vmul.f32 v35, v10;
	v11 =	vmul.f32 v35, v11  }
0x20b: {  	v47 =	vld [tilespmem:s3+$0x4260];
	v30 =	vsub.f32 $1.500000000e+00, v30;
	v13 =	vmul.f32 v35, v13;
	v17 =	vmul.f32 v27, v17  }
0x20c: {  	v50 =	vld [tilespmem:s3+$0x42A0];
	v20 =	vmul.f32 v27, v20;
	v21 =	vmul.f32 v27, v21;
	(xrf2) =	vadd.scan.msk.f32 $0xffff, v37;
	v40 =	vadd.f32 v60, v40  }
0x20d: {  	v29 =	vadd.f32 v29, v6;
	v18 =	vmul.f32 v27, v18;
	v49 =	vmul.f32 v39, v39;
	v37 =	vld [tilespmem:s3+$0x4230]  }
0x20e: {  	v38 =	vadd.f32 v46, v58;
	v30 =	vmul.f32 v30, v34;
	v61 =	vmul.f32 v33, v33;
	(xrf2) =	vadd.scan.msk.f32 $0xffff, v40  }
0x20f: {  	v52 =	vld [tilespmem:s3+$0x4270];
	v62 =	vadd.f32 v33, v39;
	v12 =	vmul.f32 v12, v0;
	v10 =	vmul.f32 v10, v1  }
0x210: {  	v51 =	vmul.f32 v43, v43;
	v53 =	vmul.f32 v44, v44;
	v54 =	vadd.f32 v45, v48  }
0x211: {  	v26 =	vld [tilespmem:s3+$0x42B0];
	v11 =	vmul.f32 v11, v2;
	v63 =	vadd.f32 v44, v43;
	v56 =	vadd.f32 v47, v62  }
0x212: {  	v58 =	vmul.f32 v50, v50;
	v51 =	vadd.f32 v53, v51;
	v40 =	vadd.f32 v37, v54  }
0x213: {  	v55 =	vmul.f32 v45, v45;
	v46 =	vadd.f32 v61, v49;
	v49 =	vadd.f32 v50, v63  }
0x214: {  	v13 =	vmul.f32 v13, v3;
	v32 =	vadd.f32 v52, v56;
	v48 =	vadd.f32 v58, v51;
	(xrf2) =	vadd.scan.msk.f32 $0xffff, v40  }
0x215: {  	v57 =	vmul.f32 v47, v47;
	v38 =	vadd.f32 v55, v38;
	v59 =	vmul.f32 v37, v37  }
0x216: {  	v60 =	vmul.f32 v52, v52;
	v61 =	vmul.f32 v26, v26;
	v49 =	vadd.f32 v26, v49;
	v63, _, _ =	vpop (xrf2);
	(xrf2) =	vadd.scan.msk.f32 $0xffff, v32  }
0x217: {  	v42 =	vadd.f32 v57, v46;
	v38 =	vadd.f32 v59, v38;
	v32 =	vmul.f32 $1.562500000e-02, v63  }
0x218: {  	v17 =	vmul.f32 v17, v0;
	v20 =	vmul.f32 v20, v1;
	v46 =	vadd.f32 v61, v48;
	v48, _, _ =	vpop (xrf2);
	(xrf2) =	vadd.scan.msk.f32 $0xffff, v49  }
0x219: {  	v62 =	vadd.f32 v60, v42;
	v40 =	vmul.f32 $1.562500000e-02, v48;
	v42 =	vmul.f32 v32, v32;
	(xrf2) =	vadd.scan.msk.f32 $0xffff, v38  }
0x21a: {  	v27 =	vadd.f32 v36, v4;
	v21 =	vmul.f32 v21, v2;
	v18 =	vmul.f32 v18, v3  }
0x21b: {  	v14 =	vmul.f32 v30, v14;
	v19 =	vmul.f32 v30, v19;
	v49 =	vsub.f32 v40, v42  }
0x21c: {  	v15 =	vmul.f32 v30, v15;
	v16 =	vmul.f32 v30, v16;
	v12 =	vadd.f32 v12, v4  }
0x21d: {  	v10 =	vadd.f32 v10, v5;
	v14 =	vmul.f32 v14, v0;
	v51 =	vadd.f32 $9.999999960e-13, v49  }
0x21e: {  	v11 =	vadd.f32 v11, v6;
	v19 =	vmul.f32 v19, v1;
	v32 =	vbroadcast v32, $0xF;
	v53, _, _ =	vpop (xrf2);
	(xrf2) =	vadd.scan.msk.f32 $0xffff, v62  }
0x21f: {  	v13 =	vadd.f32 v13, v7;
	v36 =	vmul.f32 $1.562500000e-02, v53;
	v30 =	vbroadcast v51, $0xF  }
0x220: {  	v15 =	vmul.f32 v15, v2;
	v16 =	vmul.f32 v16, v3;
	v24 =	vsub.f32 v24, v32;
	v55, _, _ =	vpop (xrf2);
	(xrf2) =	vadd.scan.msk.f32 $0xffff, v46  }
0x221: {  	v54 =	vbroadcast v36, $0xF;
	v56 =	vshra.s32 v30, $0x1;
	v30 =	vmul.f32 $5.000000000e-01, v30  }
0x222: {  	v8 =	vsub.f32 v8, v32;
	v57 =	vmul.f32 $1.562500000e-02, v55;
	v58 =	vsub.s32 $0x5F3759DF, v56;
	v61, _, _ =	vpop (xrf2)  }
0x223: {  	v36 =	vmul.f32 v36, v36;
	v28 =	vsub.f32 v28, v54;
	v59 =	vmul.f32 v58, v30;
	v63, _, _ =	vpop (xrf2)  }
0x224: {  	v40 =	vsub.f32 v41, v54;
	v35 =	vbroadcast v57, $0xF;
	v46 =	vmul.f32 $1.562500000e-02, v63  }
0x225: {  	v42 =	vsub.f32 v45, v54;
	v62 =	vmul.f32 $1.562500000e-02, v61;
	v41 =	vmul.f32 v58, v59  }
0x226: {  	v34 =	vsub.f32 v37, v54;
	v60 =	vmul.f32 v57, v57;
	v36 =	vsub.f32 v46, v36  }
0x227: {  	v39 =	vsub.f32 v39, v35;
	v48 =	vbroadcast v62, $0xF;
	v41 =	vsub.f32 $1.500000000e+00, v41  }
0x228: {  	v37 =	vmul.f32 v62, v62;
	v33 =	vsub.f32 v33, v35;
	v53, _, _ =	vpop (xrf2);
	v36 =	vadd.f32 $9.999999960e-13, v36  }
0x229: {  	v47 =	vsub.f32 v47, v35;
	v38 =	vmul.f32 v58, v41;
	v41 =	vmul.f32 $1.562500000e-02, v53  }
0x22a: {  	v35 =	vsub.f32 v52, v35;
	v52 =	vsub.f32 v9, v32;
	v54, _, _ =	vpop (xrf2);
	v36 =	vbroadcast v36, $0xF  }
0x22b: {  	v43 =	vsub.f32 v43, v48;
	v41 =	vsub.f32 v41, v60;
	v55 =	vmul.f32 $1.562500000e-02, v54  }
0x22c: {  	v30 =	vmul.f32 v38, v30;
	v56 =	vshra.s32 v36, $0x1;
	v36 =	vmul.f32 $5.000000000e-01, v36  }
0x22d: {  	v41 =	vadd.f32 $9.999999960e-13, v41;
	v37 =	vsub.f32 v55, v37;
	v57 =	vsub.s32 $0x5F3759DF, v56  }
0x22e: {  	v44 =	vsub.f32 v44, v48;
	v30 =	vmul.f32 v30, v38;
	v59 =	vmul.f32 v57, v36  }
0x22f: {  	v46 =	vsub.f32 v50, v48;
	v41 =	vbroadcast v41, $0xF;
	v37 =	vadd.f32 $9.999999960e-13, v37  }
0x230: {  	v26 =	vsub.f32 v26, v48;
	v30 =	vsub.f32 $1.500000000e+00, v30;
	v62 =	vmul.f32 v57, v59  }
0x231: {  	[tilespmem:s0+$0xC2A0] =	vst v22;
	v58 =	vshra.s32 v41, $0x1;
	v41 =	vmul.f32 $5.000000000e-01, v41;
	v37 =	vbroadcast v37, $0xF  }
0x232: {  	[tilespmem:s0+$0xC2B0] =	vst v25;
	v30 =	vmul.f32 v30, v38;
	v45 =	vsub.s32 $0x5F3759DF, v58;
	v25 =	vsub.f32 $1.500000000e+00, v62  }
0x233: {  	[tilespmem:s1+$0xC2C0] =	vst v27;
	v60 =	vmul.f32 v45, v41;
	v61 =	vshra.s32 v37, $0x1;
	v37 =	vmul.f32 $5.000000000e-01, v37  }
0x234: {  	[tilespmem:s1+$0xC2D0] =	vst v31;
	v53 =	vsub.f32 v23, v32;
	v24 =	vmul.f32 v30, v24;
	v9 =	vmul.f32 v30, v52  }
0x235: {  	[tilespmem:s1+$0xC2E0] =	vst v29;
	v8 =	vmul.f32 v30, v8;
	v63 =	vsub.s32 $0x5F3759DF, v61;
	v54 =	vmul.f32 v57, v25  }
0x236: {  	[tilespmem:s1+$0xC200] =	vst v12;
	v32 =	vadd.f32 v15, v6;
	v22 =	vmul.f32 v45, v60;
	v51 =	vmul.f32 v63, v37  }
0x237: {  	[tilespmem:s1+$0xC210] =	vst v10;
	v62 =	vadd.f32 v21, v6;
	v24 =	vmul.f32 v24, v3;
	v58 =	vmul.f32 v54, v36  }
0x238: {  	[tilespmem:s1+$0xC220] =	vst v11;
	v12 =	vmul.f32 v30, v53;
	v57 =	vadd.f32 v17, v4;
	v22 =	vsub.f32 $1.500000000e+00, v22  }
0x239: {  	[tilespmem:s1+$0xC230] =	vst v13;
	v27 =	vmul.f32 v63, v51;
	v59 =	vadd.f32 v24, v7;
	v17 =	vmul.f32 v58, v54  }
0x23a: {  	v60 =	vadd.f32 v20, v5;
	v9 =	vmul.f32 v9, v0;
	[tilespmem:s1+$0xC240] =	vst v57;
	v55 =	vmul.f32 v45, v22  }
0x23b: {  	v8 =	vmul.f32 v8, v1;
	v56 =	vsub.f32 $1.500000000e+00, v27;
	[tilespmem:s3+$0xC2F0] =	vst v59;
	v17 =	vsub.f32 $1.500000000e+00, v17  }
0x23c: {  	v12 =	vmul.f32 v12, v2;
	v24 =	vadd.f32 v18, v7;
	[tilespmem:s1+$0xC250] =	vst v60;
	v61 =	vmul.f32 v55, v41  }
0x23d: {  	v30 =	vadd.f32 v19, v5;
	[tilespmem:s1+$0xC260] =	vst v62;
	v22 =	vmul.f32 v63, v56;
	v17 =	vmul.f32 v17, v54  }
0x23e: {  	v9 =	vadd.f32 v9, v4;
	v27 =	vadd.f32 v14, v4;
	[tilespmem:s1+$0xC270] =	vst v24;
	v25 =	vmul.f32 v61, v55  }
0x23f: {  	[tilespmem:s1+$0xC290] =	vst v30;
	v63 =	vmul.f32 v22, v37;
	v37 =	vadd.f32 v16, v7;
	v36 =	vmul.f32 v17, v28  }
0x240: {  	[tilespmem:s1+$0xC2A0] =	vst v32;
	v38 =	vmul.f32 v17, v40;
	v40 =	vmul.f32 v17, v42;
	v18 =	vsub.f32 $1.500000000e+00, v25  }
0x241: {  	v8 =	vadd.f32 v8, v5;
	[tilespmem:s1+$0xC280] =	vst v27;
	v41 =	vmul.f32 v17, v34;
	v29 =	vmul.f32 v63, v22  }
0x242: {  	v12 =	vadd.f32 v12, v6;
	[tilespmem:s1+$0xC2B0] =	vst v37;
	v11 =	vmul.f32 v36, v0;
	v10 =	vmul.f32 v18, v55  }
0x243: {  	v42 =	vmul.f32 v38, v1;
	[tilespmem:s3+$0xC2D0] =	vst v8;
	v8 =	vmul.f32 v40, v2;
	v31 =	vsub.f32 $1.500000000e+00, v29  }
0x244: {  	[tilespmem:s3+$0xC2C0] =	vst v9;
	v15 =	vmul.f32 v41, v3;
	v11 =	vadd.f32 v11, v4;
	v45 =	vmul.f32 v10, v39  }
0x245: {  	[tilespmem:s3+$0xC2E0] =	vst v12;
	v9 =	vadd.f32 v42, v5;
	v13 =	vmul.f32 v31, v22;
	v48 =	vmul.f32 v10, v33  }
0x246: {  	v8 =	vadd.f32 v8, v6;
	v49 =	vmul.f32 v10, v47;
	[tilespmem:s3+$0xC200] =	vst v11;
	v16 =	vmul.f32 v45, v0  }
0x247: {  	v51 =	vadd.f32 v15, v7;
	v10 =	vmul.f32 v10, v35;
	[tilespmem:s3+$0xC210] =	vst v9;
	v50 =	vmul.f32 v48, v1  }
0x248: {  	[tilespmem:s3+$0xC220] =	vst v8;
	v52 =	vmul.f32 v13, v43;
	v8 =	vmul.f32 v49, v2;
	v53 =	vadd.f32 v16, v4  }
0x249: {  	[tilespmem:s3+$0xC230] =	vst v51;
	v54 =	vmul.f32 v13, v44;
	v55 =	vmul.f32 v10, v3;
	v56 =	vadd.f32 v50, v5  }
0x24a: {  	v58 =	vmul.f32 v13, v26;
	v14 =	vmul.f32 v52, v0;
	v8 =	vadd.f32 v8, v6;
	[tilespmem:s3+$0xC240] =	vst v53  }
0x24b: {  	v57 =	vmul.f32 v13, v46;
	v59 =	vmul.f32 v54, v1;
	v9 =	vadd.f32 v55, v7;
	[tilespmem:s3+$0xC250] =	vst v56  }
0x24c: {  	s31 =	sadd.s32 $0x1, s31;
	v61 =	vmul.f32 v58, v3;
	[tilespmem:s3+$0xC260] =	vst v8;
	v8 =	vadd.f32 v14, v4  }
0x24d: {  	p0 =	sne.s32 s31, $0x32;
	v60 =	vmul.f32 v57, v2;
	[tilespmem:s3+$0xC270] =	vst v9;
	v62 =	vadd.f32 v59, v5  }
.Ltmp2:
0x24e: {  	v63 =	vadd.f32 v61, v7;
	[tilespmem:s3+$0xC280] =	vst v8;
	(pc) =	sbr.rel @p0 .LBB2_2-.Ltmp2, $4  }
0x24f: {  	s15 =	sshll.u32 s2, $0x3;
	v8 =	vadd.f32 v60, v6;
	[tilespmem:s3+$0xC290] =	vst v62  }
0x250: {  	s0 =	sand.u32 $0x1FFFF800, s15;
	[tilespmem:s3+$0xC2B0] =	vst v63  }
0x251: {  	s0 =	sadd.s32 s4, s0;
	[tilespmem:s3+$0xC2A0] =	vst v8  }
0x252: {  	[hbm4b:s0+s5] =	stream.linear.scatter [tilespmem:s26], [sflag:$0x4], $0x4000, $0x38;
	[tilespmem:$0x10280] =	vst v63  }
0x253: {  	s30 =	sadd.s32 $0x1, s30  }
0x254: {  	_ =	swait.ge [sflag:s28], $0x4000;
	p0 =	sne.s32 s30, s12  }
.Ltmp3:
0x255: {  	[sflag:s28] =	ssyncset.done $0x0;
	(pc) =	sbr.rel @p0 .LBB2_1-.Ltmp3, $4  }
0x256: {  	[sflag:s28] =	ssyncadd.s32 $0xFFFFC000  }
0x257: {  	_ =	swait.ge [sflag:s29], $0x4000  }
0x258: {  	[sflag:s29] =	ssyncset.done $0x0  }
0x259: {  	[sflag:s29] =	ssyncadd.s32 $0xFFFFC000  }
0x25a: {  	_ =	sfence.sel $0x180000  }
0x25b: {  	[bflag:$0x0] =	sbarrier.arrive $0xFFFF  }
0x25c: {  	_ =	strace $0x90000047  }
0x25d: {  	s0 =	stileid.u32;
	[bflag:$0x2] =	sbarrier.arrive $0xFFFF  }
0x25e: {  	p0 =	sne.s32 s0, $0x0;
	s0 =	rddreg [dreg:$0x4]  }
0x25f: {  	s0 =	sadd.s32 @!p0 $0x100000, s0  }
0x260: {  	[sflag:s0] =	ssyncadd.tile.s32 @!p0 $0x1;
	_ =	shalt  }
.Lfunc_end2:
_tile_overlayer_lowered:
.L_overlay_start_2:
0x261: {  	(tag) =	ssettag $0x2  }
0x262: {  	s0 =	rddreg [dreg:$0x0];
	s2 =	stileid.u32  }
0x263: {  	s1 =	rddreg [dreg:$0x1];
	p0 =	sne.s32 s2, $0x0  }
0x264: {  	s3 =	rddreg [dreg:$0x2];
	[bflag:$0x3] =	sbarrier.arrive $0xFFFF;
	s2 =	simm.s32 @!p0 $0x1C05  }
0x265: {  	[timem:s3], [sflag:s2] =	dma.local @!p0 [hbm:s0], s1  }
0x266: {  	s0 =	simm.s32 @!p0 $0x5  }
0x267: {  	_ =	swait.ge @!p0 [sflag:s0], s1  }
0x268: {  	s1 =	ssub.s32 @!p0 $0x0, s1;
	[sflag:s0] =	ssyncset.done @!p0 $0x0  }
0x269: {  	[sflag:s0] =	ssyncadd.s32 @!p0 s1  }
0x26a: {  	[bflag:$0x3] =	sbarrier.arrive $0xFFFF  }
0x26b: {  	_ =	shalt  }

// kernel: sparse-core-data-format-call.cloned.1.call-start
scs
called_computation_lowered:
.L_overlay_start_0:
0x0: {  	s2 =	sld [smem:$0x3FD9]  }
0x1: {  	s3 =	sld [smem:$0x3FFE];
	_ =	sdelay $0x1  }
0x2: {  	s1 =	srdreg.scid  }
0x3: {  	s0 =	sand.u32 $0x1, s1  }
0x4: {  	s18 =	sshll.u32 s0, $0xA;
	s2 =	sadd.s32 s3, s2  }
0x5: {  	s2 =	sadd.s32 s2, s18  }
0x6: {  	[smem:$0x3FC4] =	sst s2  }
0x7: {  	_ = 	snop  }
0x8: {  	s2 =	sld [smem:$0x3FD0];
	(tm) =	ssettm $0x1  }
0x9: {  	s19 =	sld [smem:$0x3FFB];
	_ =	sdelay $0x3  }
0xa: {  	_ =	strace s19  }
0xb: {  	s3 =	sld [smem:$0x3FFC];
	_ =	sdelay $0x3  }
0xc: {  	_ =	strace s3  }
0xd: {  	s3 =	sld [smem:$0x3FFD];
	_ =	sdelay $0x3  }
0xe: {  	_ =	strace s3  }
0xf: {  	_ =	strace $0x8FFFFFFF  }
0x10: {  	s20 =	sld [smem:$0x3FDB];
	_ =	sdelay $0x1  }
0x11: {  	s4 =	simm.s32 $_scs_section_size  }
0x12: {  	s5 =	simm.s32 $_size__tile_overlayer_lowered;
	s6 =	simm.s32 $_tile_overlayer_lowered  }
0x13: {  	s23 =	simm.s32 $0x1BFF;
	s22 =	sshll.u32 s6, $0x1;
	s3 =	sadd.s32 s4, s20  }
0x14: {  	s7 =	simm.s32 $0x0;
	s21 =	sshll.u32 s5, $0x1;
	s5 =	sadd.s32 s22, s3  }
0x15: {  	[timem:s7], [sflag:s23] =	dma.local [hbm:s5], s21  }
0x16: {  	_ =	swait.ge [sflag:s23], s21  }
0x17: {  	s4 =	ssub.s32 $0x0, s21;
	[sflag:s23] =	ssyncset.done $0x0  }
0x18: {  	[sflag:s23] =	ssyncadd.s32 s4;
	_ =	sdelay $0x1  }
0x19: {  	s24 =	simm.s32 $0x1B8B  }
0x1a: {  	_ =	swait.ge [sflag:s24], $0x1  }
0x1b: {  	[sflag:s24] =	ssyncset.done $0x0  }
0x1c: {  	s26 =	simm.s32 $0x1B8E;
	s25 =	sld [smem:$0x3FFE];
	[sflag:s24] =	ssyncadd.s32 $0xFFFFFFFF  }
0x1d: {  	s27 =	simm.s32 $execute0_lowered;
	[smem:$0x3FD2] =	sst s26  }
0x1e: {  	s5 =	sshll.u32 s27, $0x1;
	_ =	strace $0x80000049;
	[dreg:$0x1] =	wrdreg $0xFFFFFFFF  }
0x1f: {  	s28 =	simm.s32 $_size_execute0_lowered;
	s3 =	sadd.s32 s3, s5;
	[dreg:$0x0] =	wrdreg $0x0  }
0x20: {  	s5 =	sshll.u32 s28, $0x1;
	[dreg:$0x2] =	wrdreg s3  }
0x21: {  	[dreg:$0x3] =	wrdreg s5  }
0x22: {  	[dreg:$0x4] =	wrdreg $0xC0  }
0x23: {  	_ =	task [dreg:s7], $0x5FFFF  }
0x24: {  	[dreg:$0x1] =	wrdreg $0xFFFFFFFF  }
0x25: {  	[dreg:$0x0] =	wrdreg $0x60  }
0x26: {  	[dreg:$0x2] =	wrdreg s25  }
0x27: {  	[dreg:$0x3] =	wrdreg s2  }
0x28: {  	[dreg:$0x4] =	wrdreg $0x9  }
0x29: {  	_ =	task.clear_ibuf [dreg:s7], $0x5FFFF;
	_ =	strace $0x90000049  }
0x2a: {  	s29 =	simm.s32 $0x9;
	_ =	strace $0x8000004B  }
0x2b: {  	_ =	swait.ge [sflag:s29], $0x1  }
0x2c: {  	[sflag:s29] =	ssyncadd.s32 $0xFFFFFFFF  }
0x2d: {  	_ =	strace $0x9000004B  }
0x2e: {  	_ =	sfence  }
0x2f: {  	s30 =	sld [smem:$0x0];
	_ =	sdelay $0x2  }
0x30: {  	s31 =	sshll.u32 s1, $0xD;
	s1 =	sshrl.u32 s1, $0x2  }
0x31: {  	s3 =	sand.u32 $0x4000, s31;
	s1 =	sadd.s32 s1, s30  }
0x32: {  	s0 =	sor.u32 s3, s0;
	s1 =	sshll.u32 s1, $0x11  }
0x33: {  	s0 =	sor.u32 s1, s0  }
0x34: {  	s0 =	sadd.s32 $0x8F2B, s0  }
0x35: {  	[sflag:s0] =	ssyncadd.remote.s32 $0x1  }
0x36: {  	_ =	sfence.sel $0xFFFF  }
0x37: {  	[dreg:$0x0] =	wrdreg $0xFFFFFFFF;
	(pc) =	sbr.abs _section_cstart, $3  }
0x38: {  	[dreg:$0x1] =	wrdreg $0xFFFFFFFF  }
0x39: {  	_ =	task.clear_ibuf [dreg:s7], $0x2FFFF;
	_ =	strace $0x9FFFFFFF  }
0x3a: {  	(tm) =	ssettm $0x7FFFFFFF  }
0x3b: {  	_ =	shalt  }
tec
execute0_lowered:
.L_overlay_start_1:
0x0: {  	(tag) =	ssettag $0x1  }
0x1: {  	s0 =	srdreg.scid  }
0x2: {  	s1 =	sshll.u32 s0, $0x4  }
0x3: {  	s0 =	stileid.u32;
	s1 =	sand.u32 $0x10, s1  }
0x4: {  	s1 =	sor.u32 s0, s1  }
0x5: {  	s6 =	rddreg [dreg:$0x0];
	s4 =	simm.s32 $0x1;
	s2 =	sshll.u32 s1, $0x7  }
0x6: {  	s7 =	simm.s32 $0x2;
	s12 =	simm.s32 $0x0;
	s1 =	ssub.s32 $0x1000, s2  }
0x7: {  	s8 =	simm.s32 $0x8000;
	s13 =	simm.s32 $0x0;
	s3 =	sand.u32 $0xF80, s1  }
0x8: {  	s9 =	simm.s32 $0x0;
	s5 =	sshrl.u32 s1, $0xC;
	p0 =	sne.s32 s3, $0x0  }
.Ltmp0:
0x9: {  	s1 =	rddreg [dreg:$0x2];
	s4 =	simm.s32 @!p0 $0x0;
	(pc) =	sbr.rel .LBB1_1-.Ltmp0, $4  }
0xa: {  	s11 =	simm.s32 $0x0;
	s3 =	rddreg [dreg:$0x1];
	s5 =	sadd.s32 s4, s5  }
0xb: {  	_ =	strace $0x8000004A;
	s4 =	simm.s32 $0x1;
	s5 =	smul.u32 $0xC8, s5  }
0xc: {  	s6 =	sadd.s32 $0xA00, s6;
	s10 =	smov.u32 s2;
	[sflag:s4] =	ssyncpa.u1 $0x0  }
0xd: {  	p0 =	por $0x0, $0x0;
	[sflag:s7] =	ssyncpa.u1 $0x0;
	s7 =	sor.u32 $0x1, s5  }
.LBB1_4:
0xe: {  	s16 =	sshll.u32 s13, $0x3;
	s17 =	sand.u32 $0x78, s13  }
0xf: {  	s30 =	sand.u32 $0x7E00, s13;
	s12 =	sshll.u32 s12, $0xF;
	s16 =	sand.u32 $0xC00, s16  }
0x10: {  	[tilespmem:s15+$0x810 ss:$0x81] =	vst.msk $0xffff, v2;
	s31 =	sand.u32 $0x7, s13;
	s16 =	sor.u32 s17, s16;
	s17 =	sadd.s32 s3, s30  }
0x11: {  	[tilespmem:s15+$0x1020 ss:$0x81] =	vst.msk $0xffff, v0;
	s13 =	sshll.u32 s31, $0x12;
	s12 =	sadd.s32 s12, s17;
	s16 =	sshrl.u32 s16, $0x3  }
0x12: {  	[tilespmem:s15+$0x0 ss:$0x81] =	vst.msk $0xffff, v1;
	s13 =	sor.u32 $0x400, s13;
	s12 =	sadd.s32 s16, s12  }
0x13: {  	[hbm4b:s12+s13] =	stream.strided.scatter [tilespmem:s14], [sflag:$0x2], $0x2000, s8, s13, $0x20;
	[tilespmem:$0x8080] =	vst v63  }
.LBB1_5:
0x14: {  	s14 =	sadd.s32 $0x1, s9  }
0x15: {  	s12 =	sadd.s32 $0x1000, s10;
	s16 =	smov.u32 s10;
	p2 =	sgt.s32 s14, $0xC7  }
0x16: {  	s16 =	smov.u32 @p2 s12  }
0x17: {  	s14 =	simm.s32 @p2 $0x0;
	p2 =	sgt.s32 s16, $0xFFF  }
0x18: {  	s16 =	smov.u32 @p2 s2;
	p2 =	sne.s32 s11, s7  }
.Ltmp1:
0x19: {  	p1 =	slt.u32 s11, $0x2;
	(pc) =	sbr.rel @!p2 .LBB1_6-.Ltmp1, $4  }
0x1a: {  	s15 =	simm.s32 @!p1 $0x2  }
0x1b: {  	s13 =	smov.u32 s10;
	p0 =	por !p0, !p0;
	_ =	swait.ge @!p1 [sflag:s15], $0x2000  }
0x1c: {  	s12 =	smov.u32 s9;
	[sflag:s15] =	ssyncset.done @!p1 $0x0;
	s9 =	smov.u32 s14  }
0x1d: {  	s11 =	sadd.s32 $0x1, s11;
	[sflag:s15] =	ssyncadd.s32 @!p1 $0xFFFFE000;
	s10 =	smov.u32 s16  }
.LBB1_1:
0x1e: {  	p1 =	sge.u32 s11, s5  }
0x1f: {  	s14 =	sand.u32 @!p1 $0x1FFFFFF, s9  }
0x20: {  	s15 =	smulhi.u32 @!p1 $0x147AE15, s14;
	_ =	sdelay $0x1  }
0x21: {  	s15 =	smul.u32 @!p1 $0xC8, s15  }
0x22: {  	s16 =	sxor.u32 @!p1 $0xFFFFFFFF, s11;
	s17 =	smul.u32 @!p1 $0xC80, s10  }
0x23: {  	s31 =	sadd.s32 $0xFFFFFFFF, s11;
	s16 =	sshll.u32 @!p1 s16, $0xD;
	s14 =	ssub.s32 @!p1 s14, s15  }
0x24: {  	s15 =	sand.u32 @!p1 $0x2000, s16;
	s16 =	sadd.s32 @!p1 s6, s17;
	s14 =	sshll.u32 @!p1 s14, $0x4  }
0x25: {  	s17 =	simm.s32 @!p1 $0x6400;
	s14 =	sadd.s32 @!p1 s14, s16;
	s16 =	simm.s32 @!p1 $0x40  }
0x26: {  	[tilespmem:s15], [sflag:$0x1] =	stream.strided.gather @!p1 [hbm4b:s14+s16], $0x2000, s17, s16, $0x38;
	[tilespmem:$0x8080] =	vst v63  }
0x27: {  	p1 =	sge.u32 s31, s5  }
.Ltmp2:
0x28: {  	_ = 	snop;
	(pc) =	sbr.rel @p1 .LBB1_5-.Ltmp2, $1  }
0x29: {  	_ =	sdelay $0x3  }
0x2a: {  	s14 =	simm.s32 $0x1  }
0x2b: {  	_ =	swait.ge [sflag:s4], $0x2000;
	s14 =	simm.s32 @!p0 $0x0  }
0x2c: {  	[sflag:s4] =	ssyncset.done $0x0;
	s15 =	sshll.u32 s14, $0xD  }
0x2d: {  	[sflag:s4] =	ssyncadd.s32 $0xFFFFE000;
	s18 =	sor.u32 $0x20, s15  }
0x2e: {  	s14 =	smul.u32 $0x8100, s14;
	v3 =	vld [tilespmem:s18+$0x10]  }
0x2f: {  	s30 =	sand.u32 $0x1, s11;
	v2 =	vld [tilespmem:s18+$0xFFFFFFF0]  }
0x30: {  	s15 =	smul.u32 $0x8100, s30;
	s14 =	sshrl.u32 s14, $0x2;
	v0 =	vld [tilespmem:s18+$0x0]  }
0x31: {  	v1 =	vld [tilespmem:s18+$0xFFFFFFE0];
	s16 =	sor.u32 $0x4000, s14  }
0x32: {  	s31 =	sshrl.u32 s15, $0x2;
	s15 =	sadd.s32 $0x0, s16  }
0x33: {  	s17 =	simm.s32 $0x4;
	s18 =	sadd.s32 $0x40, s18;
	s14 =	sor.u32 $0x4000, s31;
	[tilespmem:s15+$0x1830 ss:$0x81] =	vst.msk $0xffff, v3  }
.LBB1_3:
0x34: {  	v3 =	vld [tilespmem:s18+$0x10];
	p1 =	sne.s32 s17, $0x1FC;
	[tilespmem:s15+$0x810 ss:$0x81] =	vst.msk $0xffff, v2;
	s19 =	smov.u32 s17;
	s17 =	sadd.s32 $0x4, s17  }
.Ltmp3:
0x35: {  	v2 =	vld [tilespmem:s18+$0xFFFFFFF0];
	[tilespmem:s15+$0x1020 ss:$0x81] =	vst.msk $0xffff, v0;
	(pc) =	sbr.rel @p1 .LBB1_3-.Ltmp3, $4  }
0x36: {  	v0 =	vld [tilespmem:s18+$0x0];
	[tilespmem:s15+$0x0 ss:$0x81] =	vst.msk $0xffff, v1  }
0x37: {  	s15 =	sshra.s32 s19, $0x2;
	v1 =	vld [tilespmem:s18+$0xFFFFFFE0]  }
0x38: {  	s15 =	sadd.s32 s15, s16  }
0x39: {  	s18 =	sadd.s32 $0x40, s18;
	[tilespmem:s15+$0x1830 ss:$0x81] =	vst.msk $0xffff, v3  }
.Ltmp4:
0x3a: {  	_ = 	snop;
	(pc) =	sbr.rel .LBB1_4-.Ltmp4, $1  }
0x3b: {  	_ =	sdelay $0x3  }
.LBB1_6:
0x3c: {  	_ =	sfence.sel $0x180000  }
0x3d: {  	s2 =	simm.s32 $0x1;
	[bflag:$0x0] =	sbarrier.arrive $0xFFFF  }
0x3e: {  	s31 =	simm.s32 $0x2;
	[sflag:s2] =	ssyncpa.u1 $0x1  }
0x3f: {  	[sflag:s31] =	ssyncpa.u1 $0x1  }
0x40: {  	p0 =	sne.s32 s0, $0x0;
	_ =	strace $0x9000004A  }
0x41: {  	s0 =	sadd.s32 @!p0 $0x100000, s1;
	[bflag:$0x2] =	sbarrier.arrive $0xFFFF  }
0x42: {  	[sflag:s0] =	ssyncadd.tile.s32 @!p0 $0x1;
	_ =	shalt  }
.Lfunc_end1:
_tile_overlayer_lowered:
.L_overlay_start_2:
0x43: {  	(tag) =	ssettag $0x2  }
0x44: {  	s0 =	rddreg [dreg:$0x0];
	s2 =	stileid.u32  }
0x45: {  	s1 =	rddreg [dreg:$0x1];
	p0 =	sne.s32 s2, $0x0  }
0x46: {  	s3 =	rddreg [dreg:$0x2];
	[bflag:$0x3] =	sbarrier.arrive $0xFFFF;
	s2 =	simm.s32 @!p0 $0x1C01  }
0x47: {  	[timem:s3], [sflag:s2] =	dma.local @!p0 [hbm:s0], s1  }
0x48: {  	s0 =	simm.s32 @!p0 $0x1  }
0x49: {  	_ =	swait.ge @!p0 [sflag:s0], s1  }
0x4a: {  	s1 =	ssub.s32 @!p0 $0x0, s1;
	[sflag:s0] =	ssyncset.done @!p0 $0x0  }
0x4b: {  	[sflag:s0] =	ssyncadd.s32 @!p0 s1  }
0x4c: {  	[bflag:$0x3] =	sbarrier.arrive $0xFFFF  }
0x4d: {  	_ =	shalt  }

</sc_bundles>
